<compile_context>
chip_gen: v7x
topology: tpu7x:2x2x1
jax: 0.10.2.dev20260603
libtpu: 0.0.44.dev20260713+nightly
codegen_flags: <defaults>
</compile_context>

<pallas_src>
import functools

import jax
import jax.numpy as jnp
import numpy as np
from jax import lax
from jax.experimental import pallas as pl
from jax.experimental.pallas import tpu as pltpu
from jax.experimental.pallas import tpu_sc as plsc

N_NODES = 50000
N_EDGES = 800000
HID = 64
FILT = 64
NG = 50
CUTOFF = 4.5
NUM_INTERACTIONS = 3
SHIFT = float(np.log(2.0))

NC = 2
NS = 16
LANES = 16

HALF = N_NODES // NC
AGG_ROWS = 12544
SLICE = AGG_ROWS // NS
TRASH = AGG_ROWS - 4

CHUNK = 40
CHUNKS_PER_WK = N_EDGES // CHUNK // (NC * NS)

EC = 80
ECHUNKS = N_NODES // EC
NW = NC * NS
EC_BASE = ECHUNKS // NW
EC_REM = ECHUNKS % NW


def _sc_mesh():
    return plsc.VectorSubcoreMesh(core_axis_name="c", subcore_axis_name="s")



def _filters_body(ea_ref, offs_ref, wnn_ref, bnn_ref, w0_ref, w1_ref, w2_ref):
    ea = ea_ref[...]
    offs = offs_ref[...]
    dd = CUTOFF / (NG - 1)
    coeff = -0.5 / (dd * dd)
    g = jnp.exp(coeff * (ea - offs) ** 2)
    r = jnp.dot(g, wnn_ref[...], preferred_element_type=jnp.float32)
    r = r + bnn_ref[...]
    cw = 0.5 * (jnp.cos(ea * (np.pi / CUTOFF)) + 1.0)
    r = r * cw
    w0_ref[...] = r[:, :FILT]
    w1_ref[...] = r[:, FILT:2 * FILT]
    w2_ref[...] = r[:, 2 * FILT:]


def _edge_filters(edge_attr, wnn_all, bnn_all, offs):
    BE = 4000
    grid = (N_EDGES // BE,)
    out = jax.ShapeDtypeStruct((N_EDGES, FILT), jnp.float32)
    return pl.pallas_call(
        _filters_body,
        grid=grid,
        in_specs=[
            pl.BlockSpec((BE, 1), lambda i: (i, 0)),
            pl.BlockSpec((1, NG), lambda i: (0, 0)),
            pl.BlockSpec((NG, 3 * FILT), lambda i: (0, 0)),
            pl.BlockSpec((1, 3 * FILT), lambda i: (0, 0)),
        ],
        out_specs=[pl.BlockSpec((BE, FILT), lambda i: (i, 0))] * 3,
        out_shape=[out, out, out],
    )(edge_attr, offs, wnn_all, bnn_all)



def _embed_body(ids_hbm, embed_hbm, x_hbm, idx_v, rows_v, sem):
    c = lax.axis_index("c")
    s = lax.axis_index("s")
    w = s * NC + c
    n = EC_BASE + (w < EC_REM).astype(jnp.int32)

    def body(i, carry):
        cid = w + i * NW
        base = cid * EC
        pltpu.sync_copy(ids_hbm.at[pl.ds(base, EC)], idx_v)
        pltpu.async_copy(embed_hbm.at[idx_v], rows_v, sem).wait()
        pltpu.sync_copy(rows_v, x_hbm.at[pl.ds(base, EC)])
        return carry

    lax.fori_loop(0, n, body, 0)


def _embed_gather(ids, embed_pad):
    kfn = functools.partial(
        pl.kernel,
        out_type=jax.ShapeDtypeStruct((N_NODES, 2 * HID), jnp.float32),
        mesh=_sc_mesh(),
        scratch_types=[
            pltpu.VMEM((EC,), jnp.int32),
            pltpu.VMEM((EC, 2 * HID), jnp.float32),
            pltpu.SemaphoreType.DMA,
        ],
    )(_embed_body)
    return kfn(ids, embed_pad)



def _edge_body(h_hbm, w_hbm, src_hbm, out_hbm, src_v, hrows, wrows, me, gsem):
    c = lax.axis_index("c")
    s = lax.axis_index("s")
    w = s * NC + c

    def chunk(i, carry):
        base = (w * CHUNKS_PER_WK + i) * CHUNK
        pltpu.sync_copy(src_hbm.at[pl.ds(base, CHUNK)], src_v)
        gather = pltpu.async_copy(h_hbm.at[src_v], hrows, gsem)
        pltpu.sync_copy(w_hbm.at[pl.ds(base, CHUNK)], wrows)
        gather.wait()

        def mul(r, carry2):
            for k4 in range(HID // LANES):
                sl = pl.ds(k4 * LANES, LANES)
                me[r, sl] = hrows[r, sl] * wrows[r, sl]
            return carry2

        lax.fori_loop(0, CHUNK, mul, 0)
        pltpu.sync_copy(me, out_hbm.at[pl.ds(base, CHUNK)])
        return carry

    lax.fori_loop(0, CHUNKS_PER_WK, chunk, 0)


def _edge_msgs(h, w_l, src):
    kfn = functools.partial(
        pl.kernel,
        out_type=jax.ShapeDtypeStruct((N_EDGES, HID), jnp.float32),
        mesh=_sc_mesh(),
        scratch_types=[
            pltpu.VMEM((CHUNK,), jnp.int32),
            pltpu.VMEM((CHUNK, 2 * HID), jnp.float32),
            pltpu.VMEM((CHUNK, HID), jnp.float32),
            pltpu.VMEM((CHUNK, HID), jnp.float32),
            pltpu.SemaphoreType.DMA,
        ],
    )(_edge_body)
    return kfn(h, w_l, src)


def _seg_body(dst_ref, msg_ref, acc_ref):
    @pl.when(pl.program_id(0) == 0)
    def _():
        acc_ref[...] = jnp.zeros_like(acc_ref)

    def body(e, carry):
        d = dst_ref[0, 0, e]
        acc_ref[pl.ds(d, 1), :] = acc_ref[pl.ds(d, 1), :] \
            + msg_ref[pl.ds(e, 1), :]
        return carry

    lax.fori_loop(0, BSEG, body, 0)


BSEG = 2000


def _segment_sum(msg, dst_row):
    return pl.pallas_call(
        _seg_body,
        grid=(N_EDGES // BSEG,),
        in_specs=[
            pl.BlockSpec((1, 1, BSEG), lambda i: (i, 0, 0),
                         memory_space=pltpu.SMEM),
            pl.BlockSpec((BSEG, HID), lambda i: (i, 0)),
        ],
        out_specs=pl.BlockSpec((N_NODES, HID), lambda i: (0, 0)),
        out_shape=jax.ShapeDtypeStruct((N_NODES, HID), jnp.float32),
    )(dst_row, msg)



def _h_body(x_ref, win_ref, bin_ref, h_ref):
    xv = x_ref[...][:, :HID]
    hv = jnp.dot(xv, win_ref[...],
                 preferred_element_type=jnp.float32) + bin_ref[...]
    h_ref[...] = jnp.concatenate([hv, jnp.zeros_like(hv)], axis=1)


def _node_matmul(x_pad, win, bin_row):
    BN = 2000
    return pl.pallas_call(
        _h_body,
        grid=(N_NODES // BN,),
        in_specs=[
            pl.BlockSpec((BN, 2 * HID), lambda i: (i, 0)),
            pl.BlockSpec((HID, FILT), lambda i: (0, 0)),
            pl.BlockSpec((1, FILT), lambda i: (0, 0)),
        ],
        out_specs=pl.BlockSpec((BN, 2 * FILT), lambda i: (i, 0)),
        out_shape=jax.ShapeDtypeStruct((N_NODES, 2 * FILT), jnp.float32),
    )(x_pad, win, bin_row)


def _softplus(z):
    return jnp.maximum(z, 0.0) + jnp.log1p(jnp.exp(-jnp.abs(z)))


def _tail_fused_body(agg_ref, x_ref, wout_ref, bout_ref, wlin_ref, blin_ref,
                     win_ref, bin_ref, xo_ref, ho_ref):
    z = jnp.dot(agg_ref[...], wout_ref[...],
                preferred_element_type=jnp.float32) + bout_ref[...]
    sp = _softplus(z) - SHIFT
    xn = x_ref[...][:, :HID] + jnp.dot(
        sp, wlin_ref[...], preferred_element_type=jnp.float32) + blin_ref[...]
    xo_ref[...] = jnp.concatenate([xn, jnp.zeros_like(xn)], axis=1)
    hn = jnp.dot(xn, win_ref[...],
                 preferred_element_type=jnp.float32) + bin_ref[...]
    ho_ref[...] = jnp.concatenate([hn, jnp.zeros_like(hn)], axis=1)


def _tail_final_body(agg_ref, x_ref, wout_ref, bout_ref, wlin_ref, blin_ref,
                     xo_ref):
    z = jnp.dot(agg_ref[...], wout_ref[...],
                preferred_element_type=jnp.float32) + bout_ref[...]
    sp = _softplus(z) - SHIFT
    xo_ref[...] = x_ref[...][:, :HID] + jnp.dot(
        sp, wlin_ref[...], preferred_element_type=jnp.float32) + blin_ref[...]


def _tail_fused(agg, x_pad, wout, bout, wlin, blin, win_next, bin_next):
    BN = 2000
    mat = pl.BlockSpec((HID, HID), lambda i: (0, 0))
    row = pl.BlockSpec((1, HID), lambda i: (0, 0))
    big = pl.BlockSpec((BN, HID), lambda i: (i, 0))
    wide = pl.BlockSpec((BN, 2 * HID), lambda i: (i, 0))
    out = jax.ShapeDtypeStruct((N_NODES, 2 * HID), jnp.float32)
    return pl.pallas_call(
        _tail_fused_body,
        grid=(N_NODES // BN,),
        in_specs=[big, wide, mat, row, mat, row, mat, row],
        out_specs=[wide, wide],
        out_shape=[out, out],
    )(agg, x_pad, wout, bout, wlin, blin, win_next, bin_next)


def _tail_final(agg, x_pad, wout, bout, wlin, blin):
    BN = 2000
    mat = pl.BlockSpec((HID, HID), lambda i: (0, 0))
    row = pl.BlockSpec((1, HID), lambda i: (0, 0))
    big = pl.BlockSpec((BN, HID), lambda i: (i, 0))
    wide = pl.BlockSpec((BN, 2 * HID), lambda i: (i, 0))
    return pl.pallas_call(
        _tail_final_body,
        grid=(N_NODES // BN,),
        in_specs=[big, wide, mat, row, mat, row],
        out_specs=big,
        out_shape=jax.ShapeDtypeStruct((N_NODES, HID), jnp.float32),
    )(agg, x_pad, wout, bout, wlin, blin)



def kernel(atomic_numbers, edge_index, edge_attr, embed, Win, bin_, Wnn, bnn,
           Wout, bout, Wlin, blin):
    ids = atomic_numbers.astype(jnp.int32)
    src = edge_index[0].astype(jnp.int32)
    dst = edge_index[1].astype(jnp.int32)

    offs = jnp.linspace(0.0, CUTOFF, NG, dtype=jnp.float32).reshape(1, NG)
    wnn_all = jnp.transpose(Wnn, (1, 0, 2)).reshape(NG, 3 * FILT)
    bnn_all = bnn.reshape(1, 3 * FILT)

    w0, w1, w2 = _edge_filters(edge_attr, wnn_all, bnn_all, offs)
    ws = (w0, w1, w2)

    embed_pad = jnp.concatenate(
        [embed, jnp.zeros_like(embed)], axis=1)
    x = _embed_gather(ids, embed_pad)
    h = _node_matmul(x, Win[0], bin_[0].reshape(1, HID))

    dst_row = dst.reshape(N_EDGES // BSEG, 1, BSEG)
    for l in range(NUM_INTERACTIONS):
        msg = _edge_msgs(h, ws[l], src)
        agg = _segment_sum(msg, dst_row)
        if l + 1 < NUM_INTERACTIONS:
            x, h = _tail_fused(agg, x, Wout[l], bout[l].reshape(1, HID),
                               Wlin[l], blin[l].reshape(1, HID),
                               Win[l + 1], bin_[l + 1].reshape(1, HID))
        else:
            x = _tail_final(agg, x, Wout[l], bout[l].reshape(1, HID),
                            Wlin[l], blin[l].reshape(1, HID))
    return x

# --- scband reference (transcript-rebuilt; emitter-appended) ---
"""Pipeline reference for scband-sch-net-encoder-67688684585228 (READ-ONLY COPY).

The authoritative reference and input builder live on the scoring server;
editing this copy changes nothing except your own understanding.
"""

import jax, jax.numpy as jnp
import numpy as np

N_NODES = 50000
N_EDGES = 800000
HID = 64
FILT = 64
NG = 50
CUTOFF = 4.5
NUM_INTERACTIONS = 3
VOCAB = 100


def setup_inputs(seed: int = 0) -> dict:
    key = jax.random.key(seed)
    ks = jax.random.split(key, 16)
    atomic_numbers = jax.random.randint(ks[0], (N_NODES,), 0, VOCAB, dtype=jnp.int64) if jax.config.jax_enable_x64 else jax.random.randint(ks[0], (N_NODES,), 0, VOCAB).astype(jnp.int32)
    edge_index = jax.random.randint(ks[1], (2, N_EDGES), 0, N_NODES).astype(jnp.int32)
    edge_attr = jax.random.uniform(ks[2], (N_EDGES, 1), dtype=jnp.float32) * CUTOFF
    embed = jax.random.normal(ks[3], (VOCAB, HID), dtype=jnp.float32) * 0.05
    embed = embed.at[0].set(0.0)  # padding_idx=0
    L = NUM_INTERACTIONS
    Win = jax.random.normal(ks[4], (L, HID, FILT), dtype=jnp.float32) * 0.05
    bin_ = jnp.zeros((L, FILT), dtype=jnp.float32)
    Wnn = jax.random.normal(ks[5], (L, NG, FILT), dtype=jnp.float32) * 0.05
    bnn = jnp.zeros((L, FILT), dtype=jnp.float32)
    Wout = jax.random.normal(ks[6], (L, FILT, HID), dtype=jnp.float32) * 0.05
    bout = jnp.zeros((L, HID), dtype=jnp.float32)
    Wlin = jax.random.normal(ks[7], (L, HID, HID), dtype=jnp.float32) * 0.05
    blin = jnp.zeros((L, HID), dtype=jnp.float32)
    return {
        "atomic_numbers": atomic_numbers,
        "edge_index": edge_index,
        "edge_attr": edge_attr,
        "embed": embed,
        "Win": Win, "bin_": bin_,
        "Wnn": Wnn, "bnn": bnn,
        "Wout": Wout, "bout": bout,
        "Wlin": Wlin, "blin": blin,
    }


def reference(atomic_numbers, edge_index, edge_attr, embed, Win, bin_, Wnn, bnn, Wout, bout, Wlin, blin):
    offsets = jnp.linspace(0.0, CUTOFF, NG)
    coeff = -0.5 / (offsets[1] - offsets[0]) ** 2
    # embedding lookup (gather)
    x = jnp.take(embed, atomic_numbers, axis=0)  # [N, HID]
    # Gaussian smearing: dist [E,1] broadcast against offsets [NG]
    gauss_exp = jnp.exp(coeff * (edge_attr - offsets[None, :]) ** 2)  # [E, NG]
    src = edge_index[0]
    dst = edge_index[1]
    N = x.shape[0]
    shift = jnp.log(2.0)
    for l in range(NUM_INTERACTIONS):
        # ConvCF
        C = 0.5 * (jnp.cos(edge_attr * jnp.pi / CUTOFF) + 1.0)  # [E,1]
        W = (gauss_exp @ Wnn[l] + bnn[l]) * C  # [E, FILT]
        h = x @ Win[l] + bin_[l]  # [N, FILT]
        msg = jnp.take(h, src, axis=0) * W  # gather + elementwise
        agg = jax.ops.segment_sum(msg, dst, num_segments=N)  # scatter-add
        h2 = agg @ Wout[l] + bout[l]  # [N, HID]
        # ShiftedSoftplus + lin
        h2 = jax.nn.softplus(h2) - shift
        h2 = h2 @ Wlin[l] + blin[l]
        # residual (x = x + interaction(x, ...))
        x = x + h2
    return x

if __name__ == "__main__":
    import jax
    _d = setup_inputs()
    print(jax.jit(kernel)(*tuple(_d.values())))

</pallas_src>

<mosaic_0001>
#map = affine_map<(d0, d1) -> (0)>
#map1 = affine_map<(d0, d1) -> (0, 0)>
module attributes {stable_mosaic.version = 14 : i64} {
  func.func @_embed_body(%arg0: i32, %arg1: i32, %arg2: memref<50000xi32, #tpu.memory_space<hbm>>, %arg3: memref<100x128xf32, #tpu.memory_space<hbm>>, %arg4: memref<50000x128xf32, #tpu.memory_space<hbm>>, %arg5: memref<80xi32, #tpu.memory_space<vmem>>, %arg6: memref<80x128xf32, #tpu.memory_space<vmem>>, %arg7: memref<!tpu.dma_semaphore, #tpu.memory_space<semaphore_mem>>) attributes {dimension_semantics = [#tpu.dimension_semantics<core_parallel>, #tpu.dimension_semantics<subcore_parallel>], iteration_bounds = array<i64: 2, 16>, scalar_prefetch = 0 : i64, scratch_operands = 3 : i64, tpu.core_type = #tpu.core_type<sc_vector_subcore>, window_params = [{transform_indices = #map}, {transform_indices = #map1}, {transform_indices = #map1}]} {
    %mul3A = arith.constant 2 : i32
    %mul3A_0 = arith.muli %arg1, %mul3A : i32
    %add3A = arith.addi %mul3A_0, %arg0 : i32
    %lt3A = arith.constant 17 : i32
    %lt3A_1 = arith.cmpi slt, %add3A, %lt3A : i32
    %convert_element_type3A = arith.extui %lt3A_1 : i1 to i32
    %add3A_2 = arith.constant 19 : i32
    %add3A_3 = arith.addi %add3A_2, %convert_element_type3A : i32
    %while3A = arith.constant 0 : i32
    %while3A_4 = arith.constant 0 : i32
    %while3A_5 = arith.subi %add3A_3, %while3A_4 : i32
    %while3A_6 = arith.addi %while3A_4, %while3A_5 : i32
    %while3A_7 = arith.constant 1 : i32
    %while3A_8 = arith.divsi %while3A_5, %while3A_7 : i32
    %while3A_9 = arith.muli %while3A_8, %while3A_7 : i32
    %while3A_10 = arith.addi %while3A_4, %while3A_9 : i32
    %while3A_11 = arith.constant 1 : i32
    scf.for %while3A_13 = %while3A_4 to %while3A_10 step %while3A_11  : i32 {
      %mul3A_14 = arith.constant 32 : i32
      %mul3A_15 = arith.muli %while3A_13, %mul3A_14 : i32
      %add3A_16 = arith.addi %add3A, %mul3A_15 : i32
      %mul3A_17 = arith.constant 80 : i32
      %mul3A_18 = arith.muli %add3A_16, %mul3A_17 : i32
      "tpu.region"() ({
        %run_scoped3A = tpu.sem_alloc : memref<!tpu.dma_semaphore, #tpu.memory_space<semaphore_mem>>
        %dma_start3A_23 = tpu.memref_slice %arg2[%mul3A_18] : memref<50000xi32, #tpu.memory_space<hbm>> -> memref<80xi32, #tpu.memory_space<hbm>>
        %dma_start3A_24 = tpu.memref_slice %arg2[%mul3A_18] : memref<50000xi32, #tpu.memory_space<hbm>> -> memref<80xi32, #tpu.memory_space<hbm>>
        tpu.enqueue_dma source(%dma_start3A_24 : memref<80xi32, #tpu.memory_space<hbm>>) target(%arg5 : memref<80xi32, #tpu.memory_space<vmem>>) target_semaphore(%run_scoped3A : memref<!tpu.dma_semaphore, #tpu.memory_space<semaphore_mem>>)
        %dma_wait3A_25 = tpu.memref_slice %arg2[%mul3A_18] : memref<50000xi32, #tpu.memory_space<hbm>> -> memref<80xi32, #tpu.memory_space<hbm>>
        %dma_wait3A_26 = tpu.memref_slice %arg2[%mul3A_18] : memref<50000xi32, #tpu.memory_space<hbm>> -> memref<80xi32, #tpu.memory_space<hbm>>
        tpu.wait_dma2 semaphore(%run_scoped3A : memref<!tpu.dma_semaphore, #tpu.memory_space<semaphore_mem>>) src(%dma_wait3A_26 : memref<80xi32, #tpu.memory_space<hbm>>) dst(%arg5 : memref<80xi32, #tpu.memory_space<vmem>>)
        tpu.yield
      }) : () -> ()
      %dma_start3A = arith.constant 0 : i32
      %dma_start3A_19 = arith.constant 0 : i32
      %dma_start3A_20 = tpu.memref_slice %arg3[%dma_start3A, %dma_start3A_19] : memref<100x128xf32, #tpu.memory_space<hbm>> -> memref<100x128xf32, #tpu.memory_space<hbm>>
      tpu.enqueue_indirect_dma source(%dma_start3A_20 : memref<100x128xf32, #tpu.memory_space<hbm>>) target(%arg6 : memref<80x128xf32, #tpu.memory_space<vmem>>) offsets(%arg5 : memref<80xi32, #tpu.memory_space<vmem>>) semaphore(%arg7 : memref<!tpu.dma_semaphore, #tpu.memory_space<semaphore_mem>>)
      %dma_wait3A = arith.constant 0 : i32
      %dma_wait3A_21 = arith.constant 0 : i32
      %dma_wait3A_22 = tpu.memref_slice %arg3[%dma_wait3A, %dma_wait3A_21] : memref<100x128xf32, #tpu.memory_space<hbm>> -> memref<100x128xf32, #tpu.memory_space<hbm>>
      tpu.wait_indirect_dma semaphore(%arg7 : memref<!tpu.dma_semaphore, #tpu.memory_space<semaphore_mem>>) src(%dma_wait3A_22 : memref<100x128xf32, #tpu.memory_space<hbm>>) dst(%arg6 : memref<80x128xf32, #tpu.memory_space<vmem>>)
      "tpu.region"() ({
        %run_scoped3A = tpu.sem_alloc : memref<!tpu.dma_semaphore, #tpu.memory_space<semaphore_mem>>
        %dma_start3A_23 = arith.constant 0 : i32
        %dma_start3A_24 = tpu.memref_slice %arg4[%mul3A_18, %dma_start3A_23] : memref<50000x128xf32, #tpu.memory_space<hbm>> -> memref<80x128xf32, #tpu.memory_space<hbm>>
        %dma_start3A_25 = arith.constant 0 : i32
        %dma_start3A_26 = tpu.memref_slice %arg4[%mul3A_18, %dma_start3A_25] : memref<50000x128xf32, #tpu.memory_space<hbm>> -> memref<80x128xf32, #tpu.memory_space<hbm>>
        tpu.enqueue_dma source(%arg6 : memref<80x128xf32, #tpu.memory_space<vmem>>) target(%dma_start3A_26 : memref<80x128xf32, #tpu.memory_space<hbm>>) target_semaphore(%run_scoped3A : memref<!tpu.dma_semaphore, #tpu.memory_space<semaphore_mem>>)
        %dma_wait3A_27 = arith.constant 0 : i32
        %dma_wait3A_28 = tpu.memref_slice %arg4[%mul3A_18, %dma_wait3A_27] : memref<50000x128xf32, #tpu.memory_space<hbm>> -> memref<80x128xf32, #tpu.memory_space<hbm>>
        %dma_wait3A_29 = arith.constant 0 : i32
        %dma_wait3A_30 = tpu.memref_slice %arg4[%mul3A_18, %dma_wait3A_29] : memref<50000x128xf32, #tpu.memory_space<hbm>> -> memref<80x128xf32, #tpu.memory_space<hbm>>
        tpu.wait_dma2 semaphore(%run_scoped3A : memref<!tpu.dma_semaphore, #tpu.memory_space<semaphore_mem>>) src(%arg6 : memref<80x128xf32, #tpu.memory_space<vmem>>) dst(%dma_wait3A_30 : memref<80x128xf32, #tpu.memory_space<hbm>>)
        tpu.yield
      }) : () -> ()
    }
    %while3A_12 = arith.constant 1 : i32
    scf.for %while3A_13 = %while3A_10 to %while3A_6 step %while3A_12  : i32 {
      %mul3A_14 = arith.constant 32 : i32
      %mul3A_15 = arith.muli %while3A_13, %mul3A_14 : i32
      %add3A_16 = arith.addi %add3A, %mul3A_15 : i32
      %mul3A_17 = arith.constant 80 : i32
      %mul3A_18 = arith.muli %add3A_16, %mul3A_17 : i32
      "tpu.region"() ({
        %run_scoped3A = tpu.sem_alloc : memref<!tpu.dma_semaphore, #tpu.memory_space<semaphore_mem>>
        %dma_start3A_23 = tpu.memref_slice %arg2[%mul3A_18] : memref<50000xi32, #tpu.memory_space<hbm>> -> memref<80xi32, #tpu.memory_space<hbm>>
        %dma_start3A_24 = tpu.memref_slice %arg2[%mul3A_18] : memref<50000xi32, #tpu.memory_space<hbm>> -> memref<80xi32, #tpu.memory_space<hbm>>
        tpu.enqueue_dma source(%dma_start3A_24 : memref<80xi32, #tpu.memory_space<hbm>>) target(%arg5 : memref<80xi32, #tpu.memory_space<vmem>>) target_semaphore(%run_scoped3A : memref<!tpu.dma_semaphore, #tpu.memory_space<semaphore_mem>>)
        %dma_wait3A_25 = tpu.memref_slice %arg2[%mul3A_18] : memref<50000xi32, #tpu.memory_space<hbm>> -> memref<80xi32, #tpu.memory_space<hbm>>
        %dma_wait3A_26 = tpu.memref_slice %arg2[%mul3A_18] : memref<50000xi32, #tpu.memory_space<hbm>> -> memref<80xi32, #tpu.memory_space<hbm>>
        tpu.wait_dma2 semaphore(%run_scoped3A : memref<!tpu.dma_semaphore, #tpu.memory_space<semaphore_mem>>) src(%dma_wait3A_26 : memref<80xi32, #tpu.memory_space<hbm>>) dst(%arg5 : memref<80xi32, #tpu.memory_space<vmem>>)
        tpu.yield
      }) : () -> ()
      %dma_start3A = arith.constant 0 : i32
      %dma_start3A_19 = arith.constant 0 : i32
      %dma_start3A_20 = tpu.memref_slice %arg3[%dma_start3A, %dma_start3A_19] : memref<100x128xf32, #tpu.memory_space<hbm>> -> memref<100x128xf32, #tpu.memory_space<hbm>>
      tpu.enqueue_indirect_dma source(%dma_start3A_20 : memref<100x128xf32, #tpu.memory_space<hbm>>) target(%arg6 : memref<80x128xf32, #tpu.memory_space<vmem>>) offsets(%arg5 : memref<80xi32, #tpu.memory_space<vmem>>) semaphore(%arg7 : memref<!tpu.dma_semaphore, #tpu.memory_space<semaphore_mem>>)
      %dma_wait3A = arith.constant 0 : i32
      %dma_wait3A_21 = arith.constant 0 : i32
      %dma_wait3A_22 = tpu.memref_slice %arg3[%dma_wait3A, %dma_wait3A_21] : memref<100x128xf32, #tpu.memory_space<hbm>> -> memref<100x128xf32, #tpu.memory_space<hbm>>
      tpu.wait_indirect_dma semaphore(%arg7 : memref<!tpu.dma_semaphore, #tpu.memory_space<semaphore_mem>>) src(%dma_wait3A_22 : memref<100x128xf32, #tpu.memory_space<hbm>>) dst(%arg6 : memref<80x128xf32, #tpu.memory_space<vmem>>)
      "tpu.region"() ({
        %run_scoped3A = tpu.sem_alloc : memref<!tpu.dma_semaphore, #tpu.memory_space<semaphore_mem>>
        %dma_start3A_23 = arith.constant 0 : i32
        %dma_start3A_24 = tpu.memref_slice %arg4[%mul3A_18, %dma_start3A_23] : memref<50000x128xf32, #tpu.memory_space<hbm>> -> memref<80x128xf32, #tpu.memory_space<hbm>>
        %dma_start3A_25 = arith.constant 0 : i32
        %dma_start3A_26 = tpu.memref_slice %arg4[%mul3A_18, %dma_start3A_25] : memref<50000x128xf32, #tpu.memory_space<hbm>> -> memref<80x128xf32, #tpu.memory_space<hbm>>
        tpu.enqueue_dma source(%arg6 : memref<80x128xf32, #tpu.memory_space<vmem>>) target(%dma_start3A_26 : memref<80x128xf32, #tpu.memory_space<hbm>>) target_semaphore(%run_scoped3A : memref<!tpu.dma_semaphore, #tpu.memory_space<semaphore_mem>>)
        %dma_wait3A_27 = arith.constant 0 : i32
        %dma_wait3A_28 = tpu.memref_slice %arg4[%mul3A_18, %dma_wait3A_27] : memref<50000x128xf32, #tpu.memory_space<hbm>> -> memref<80x128xf32, #tpu.memory_space<hbm>>
        %dma_wait3A_29 = arith.constant 0 : i32
        %dma_wait3A_30 = tpu.memref_slice %arg4[%mul3A_18, %dma_wait3A_29] : memref<50000x128xf32, #tpu.memory_space<hbm>> -> memref<80x128xf32, #tpu.memory_space<hbm>>
        tpu.wait_dma2 semaphore(%run_scoped3A : memref<!tpu.dma_semaphore, #tpu.memory_space<semaphore_mem>>) src(%arg6 : memref<80x128xf32, #tpu.memory_space<vmem>>) dst(%dma_wait3A_30 : memref<80x128xf32, #tpu.memory_space<hbm>>)
        tpu.yield
      }) : () -> ()
    }
    return
  }
}

#map = affine_map<(d0, d1) -> (0, 0)>
#map1 = affine_map<(d0, d1) -> (0)>
module attributes {stable_mosaic.version = 14 : i64} {
  func.func @_edge_body(%arg0: i32, %arg1: i32, %arg2: memref<50000x128xf32, #tpu.memory_space<hbm>>, %arg3: memref<800000x64xf32, #tpu.memory_space<hbm>>, %arg4: memref<800000xi32, #tpu.memory_space<hbm>>, %arg5: memref<800000x64xf32, #tpu.memory_space<hbm>>, %arg6: memref<40xi32, #tpu.memory_space<vmem>>, %arg7: memref<40x128xf32, #tpu.memory_space<vmem>>, %arg8: memref<40x64xf32, #tpu.memory_space<vmem>>, %arg9: memref<40x64xf32, #tpu.memory_space<vmem>>, %arg10: memref<!tpu.dma_semaphore, #tpu.memory_space<semaphore_mem>>) attributes {dimension_semantics = [#tpu.dimension_semantics<core_parallel>, #tpu.dimension_semantics<subcore_parallel>], iteration_bounds = array<i64: 2, 16>, scalar_prefetch = 0 : i64, scratch_operands = 5 : i64, tpu.core_type = #tpu.core_type<sc_vector_subcore>, window_params = [{transform_indices = #map}, {transform_indices = #map}, {transform_indices = #map1}, {transform_indices = #map}]} {
    %mul3A = arith.constant 2 : i32
    %mul3A_0 = arith.muli %arg1, %mul3A : i32
    %add3A = arith.addi %mul3A_0, %arg0 : i32
    %scan3A = arith.constant 0 : i32
    %scan3A_1 = arith.constant 0 : i32
    %scan3A_2 = arith.constant 625 : i32
    %scan3A_3 = arith.addi %scan3A_1, %scan3A_2 : i32
    %scan3A_4 = arith.constant 1 : i32
    scf.for %scan3A_6 = %scan3A_1 to %scan3A_3 step %scan3A_4  : i32 {
      %mul3A_7 = arith.constant 625 : i32
      %mul3A_8 = arith.muli %add3A, %mul3A_7 : i32
      %add3A_9 = arith.addi %mul3A_8, %scan3A_6 : i32
      %mul3A_10 = arith.constant 40 : i32
      %mul3A_11 = arith.muli %add3A_9, %mul3A_10 : i32
      "tpu.region"() ({
        %run_scoped3A = tpu.sem_alloc : memref<!tpu.dma_semaphore, #tpu.memory_space<semaphore_mem>>
        %dma_start3A_22 = tpu.memref_slice %arg4[%mul3A_11] : memref<800000xi32, #tpu.memory_space<hbm>> -> memref<40xi32, #tpu.memory_space<hbm>>
        %dma_start3A_23 = tpu.memref_slice %arg4[%mul3A_11] : memref<800000xi32, #tpu.memory_space<hbm>> -> memref<40xi32, #tpu.memory_space<hbm>>
        tpu.enqueue_dma source(%dma_start3A_23 : memref<40xi32, #tpu.memory_space<hbm>>) target(%arg6 : memref<40xi32, #tpu.memory_space<vmem>>) target_semaphore(%run_scoped3A : memref<!tpu.dma_semaphore, #tpu.memory_space<semaphore_mem>>)
        %dma_wait3A_24 = tpu.memref_slice %arg4[%mul3A_11] : memref<800000xi32, #tpu.memory_space<hbm>> -> memref<40xi32, #tpu.memory_space<hbm>>
        %dma_wait3A_25 = tpu.memref_slice %arg4[%mul3A_11] : memref<800000xi32, #tpu.memory_space<hbm>> -> memref<40xi32, #tpu.memory_space<hbm>>
        tpu.wait_dma2 semaphore(%run_scoped3A : memref<!tpu.dma_semaphore, #tpu.memory_space<semaphore_mem>>) src(%dma_wait3A_25 : memref<40xi32, #tpu.memory_space<hbm>>) dst(%arg6 : memref<40xi32, #tpu.memory_space<vmem>>)
        tpu.yield
      }) : () -> ()
      %dma_start3A = arith.constant 0 : i32
      %dma_start3A_12 = arith.constant 0 : i32
      %dma_start3A_13 = tpu.memref_slice %arg2[%dma_start3A, %dma_start3A_12] : memref<50000x128xf32, #tpu.memory_space<hbm>> -> memref<50000x128xf32, #tpu.memory_space<hbm>>
      tpu.enqueue_indirect_dma source(%dma_start3A_13 : memref<50000x128xf32, #tpu.memory_space<hbm>>) target(%arg7 : memref<40x128xf32, #tpu.memory_space<vmem>>) offsets(%arg6 : memref<40xi32, #tpu.memory_space<vmem>>) semaphore(%arg10 : memref<!tpu.dma_semaphore, #tpu.memory_space<semaphore_mem>>)
      "tpu.region"() ({
        %run_scoped3A = tpu.sem_alloc : memref<!tpu.dma_semaphore, #tpu.memory_space<semaphore_mem>>
        %dma_start3A_22 = arith.constant 0 : i32
        %dma_start3A_23 = tpu.memref_slice %arg3[%mul3A_11, %dma_start3A_22] : memref<800000x64xf32, #tpu.memory_space<hbm>> -> memref<40x64xf32, #tpu.memory_space<hbm>>
        %dma_start3A_24 = arith.constant 0 : i32
        %dma_start3A_25 = tpu.memref_slice %arg3[%mul3A_11, %dma_start3A_24] : memref<800000x64xf32, #tpu.memory_space<hbm>> -> memref<40x64xf32, #tpu.memory_space<hbm>>
        tpu.enqueue_dma source(%dma_start3A_25 : memref<40x64xf32, #tpu.memory_space<hbm>>) target(%arg8 : memref<40x64xf32, #tpu.memory_space<vmem>>) target_semaphore(%run_scoped3A : memref<!tpu.dma_semaphore, #tpu.memory_space<semaphore_mem>>)
        %dma_wait3A_26 = arith.constant 0 : i32
        %dma_wait3A_27 = tpu.memref_slice %arg3[%mul3A_11, %dma_wait3A_26] : memref<800000x64xf32, #tpu.memory_space<hbm>> -> memref<40x64xf32, #tpu.memory_space<hbm>>
        %dma_wait3A_28 = arith.constant 0 : i32
        %dma_wait3A_29 = tpu.memref_slice %arg3[%mul3A_11, %dma_wait3A_28] : memref<800000x64xf32, #tpu.memory_space<hbm>> -> memref<40x64xf32, #tpu.memory_space<hbm>>
        tpu.wait_dma2 semaphore(%run_scoped3A : memref<!tpu.dma_semaphore, #tpu.memory_space<semaphore_mem>>) src(%dma_wait3A_29 : memref<40x64xf32, #tpu.memory_space<hbm>>) dst(%arg8 : memref<40x64xf32, #tpu.memory_space<vmem>>)
        tpu.yield
      }) : () -> ()
      %dma_wait3A = arith.constant 0 : i32
      %dma_wait3A_14 = arith.constant 0 : i32
      %dma_wait3A_15 = tpu.memref_slice %arg2[%dma_wait3A, %dma_wait3A_14] : memref<50000x128xf32, #tpu.memory_space<hbm>> -> memref<50000x128xf32, #tpu.memory_space<hbm>>
      tpu.wait_indirect_dma semaphore(%arg10 : memref<!tpu.dma_semaphore, #tpu.memory_space<semaphore_mem>>) src(%dma_wait3A_15 : memref<50000x128xf32, #tpu.memory_space<hbm>>) dst(%arg7 : memref<40x128xf32, #tpu.memory_space<vmem>>)
      %scan3A_16 = arith.constant 0 : i32
      %scan3A_17 = arith.constant 0 : i32
      %scan3A_18 = arith.constant 40 : i32
      %scan3A_19 = arith.addi %scan3A_17, %scan3A_18 : i32
      %scan3A_20 = arith.constant 1 : i32
      scf.for %scan3A_22 = %scan3A_17 to %scan3A_19 step %scan3A_20  : i32 {
        %get3A = arith.index_cast %scan3A_22 : i32 to index
        %get3A_23 = arith.constant 0 : index
        %get3A_24 = tpu.vector_load %arg7[%get3A, %get3A_23] {strides = array<i32>} : memref<40x128xf32, #tpu.memory_space<vmem>>, vector<1x16xf32>,
        %get3A_25 = vector.shape_cast %get3A_24 : vector<1x16xf32> to vector<16xf32>
        %get3A_26 = arith.index_cast %scan3A_22 : i32 to index
        %get3A_27 = arith.constant 0 : index
        %get3A_28 = tpu.vector_load %arg8[%get3A_26, %get3A_27] {strides = array<i32>} : memref<40x64xf32, #tpu.memory_space<vmem>>, vector<1x16xf32>,
        %get3A_29 = vector.shape_cast %get3A_28 : vector<1x16xf32> to vector<16xf32>
        %mul3A_30 = arith.mulf %get3A_25, %get3A_29 : vector<16xf32>
        %swap3A = arith.index_cast %scan3A_22 : i32 to index
        %swap3A_31 = arith.constant 0 : index
        %swap3A_32 = tpu.vector_load %arg9[%swap3A, %swap3A_31] {strides = array<i32>} : memref<40x64xf32, #tpu.memory_space<vmem>>, vector<1x16xf32>,
        %swap3A_33 = vector.shape_cast %swap3A_32 : vector<1x16xf32> to vector<16xf32>
        %swap3A_34 = vector.shape_cast %mul3A_30 : vector<16xf32> to vector<1x16xf32>
        tpu.vector_store %arg9[%swap3A, %swap3A_31], %swap3A_34 {strides = array<i32>} : memref<40x64xf32, #tpu.memory_space<vmem>>, vector<1x16xf32>,
        %get3A_35 = arith.index_cast %scan3A_22 : i32 to index
        %get3A_36 = arith.constant 16 : index
        %get3A_37 = tpu.vector_load %arg7[%get3A_35, %get3A_36] {strides = array<i32>} : memref<40x128xf32, #tpu.memory_space<vmem>>, vector<1x16xf32>,
        %get3A_38 = vector.shape_cast %get3A_37 : vector<1x16xf32> to vector<16xf32>
        %get3A_39 = arith.index_cast %scan3A_22 : i32 to index
        %get3A_40 = arith.constant 16 : index
        %get3A_41 = tpu.vector_load %arg8[%get3A_39, %get3A_40] {strides = array<i32>} : memref<40x64xf32, #tpu.memory_space<vmem>>, vector<1x16xf32>,
        %get3A_42 = vector.shape_cast %get3A_41 : vector<1x16xf32> to vector<16xf32>
        %mul3A_43 = arith.mulf %get3A_38, %get3A_42 : vector<16xf32>
        %swap3A_44 = arith.index_cast %scan3A_22 : i32 to index
        %swap3A_45 = arith.constant 16 : index
        %swap3A_46 = tpu.vector_load %arg9[%swap3A_44, %swap3A_45] {strides = array<i32>} : memref<40x64xf32, #tpu.memory_space<vmem>>, vector<1x16xf32>,
        %swap3A_47 = vector.shape_cast %swap3A_46 : vector<1x16xf32> to vector<16xf32>
        %swap3A_48 = vector.shape_cast %mul3A_43 : vector<16xf32> to vector<1x16xf32>
        tpu.vector_store %arg9[%swap3A_44, %swap3A_45], %swap3A_48 {strides = array<i32>} : memref<40x64xf32, #tpu.memory_space<vmem>>, vector<1x16xf32>,
        %get3A_49 = arith.index_cast %scan3A_22 : i32 to index
        %get3A_50 = arith.constant 32 : index
        %get3A_51 = tpu.vector_load %arg7[%get3A_49, %get3A_50] {strides = array<i32>} : memref<40x128xf32, #tpu.memory_space<vmem>>, vector<1x16xf32>,
        %get3A_52 = vector.shape_cast %get3A_51 : vector<1x16xf32> to vector<16xf32>
        %get3A_53 = arith.index_cast %scan3A_22 : i32 to index
        %get3A_54 = arith.constant 32 : index
        %get3A_55 = tpu.vector_load %arg8[%get3A_53, %get3A_54] {strides = array<i32>} : memref<40x64xf32, #tpu.memory_space<vmem>>, vector<1x16xf32>,
        %get3A_56 = vector.shape_cast %get3A_55 : vector<1x16xf32> to vector<16xf32>
        %mul3A_57 = arith.mulf %get3A_52, %get3A_56 : vector<16xf32>
        %swap3A_58 = arith.index_cast %scan3A_22 : i32 to index
        %swap3A_59 = arith.constant 32 : index
        %swap3A_60 = tpu.vector_load %arg9[%swap3A_58, %swap3A_59] {strides = array<i32>} : memref<40x64xf32, #tpu.memory_space<vmem>>, vector<1x16xf32>,
        %swap3A_61 = vector.shape_cast %swap3A_60 : vector<1x16xf32> to vector<16xf32>
        %swap3A_62 = vector.shape_cast %mul3A_57 : vector<16xf32> to vector<1x16xf32>
        tpu.vector_store %arg9[%swap3A_58, %swap3A_59], %swap3A_62 {strides = array<i32>} : memref<40x64xf32, #tpu.memory_space<vmem>>, vector<1x16xf32>,
        %get3A_63 = arith.index_cast %scan3A_22 : i32 to index
        %get3A_64 = arith.constant 48 : index
        %get3A_65 = tpu.vector_load %arg7[%get3A_63, %get3A_64] {strides = array<i32>} : memref<40x128xf32, #tpu.memory_space<vmem>>, vector<1x16xf32>,
        %get3A_66 = vector.shape_cast %get3A_65 : vector<1x16xf32> to vector<16xf32>
        %get3A_67 = arith.index_cast %scan3A_22 : i32 to index
        %get3A_68 = arith.constant 48 : index
        %get3A_69 = tpu.vector_load %arg8[%get3A_67, %get3A_68] {strides = array<i32>} : memref<40x64xf32, #tpu.memory_space<vmem>>, vector<1x16xf32>,
        %get3A_70 = vector.shape_cast %get3A_69 : vector<1x16xf32> to vector<16xf32>
        %mul3A_71 = arith.mulf %get3A_66, %get3A_70 : vector<16xf32>
        %swap3A_72 = arith.index_cast %scan3A_22 : i32 to index
        %swap3A_73 = arith.constant 48 : index
        %swap3A_74 = tpu.vector_load %arg9[%swap3A_72, %swap3A_73] {strides = array<i32>} : memref<40x64xf32, #tpu.memory_space<vmem>>, vector<1x16xf32>,
        %swap3A_75 = vector.shape_cast %swap3A_74 : vector<1x16xf32> to vector<16xf32>
        %swap3A_76 = vector.shape_cast %mul3A_71 : vector<16xf32> to vector<1x16xf32>
        tpu.vector_store %arg9[%swap3A_72, %swap3A_73], %swap3A_76 {strides = array<i32>} : memref<40x64xf32, #tpu.memory_space<vmem>>, vector<1x16xf32>,
      }
      %scan3A_21 = arith.constant 40 : i32
      "tpu.region"() ({
        %run_scoped3A = tpu.sem_alloc : memref<!tpu.dma_semaphore, #tpu.memory_space<semaphore_mem>>
        %dma_start3A_22 = arith.constant 0 : i32
        %dma_start3A_23 = tpu.memref_slice %arg5[%mul3A_11, %dma_start3A_22] : memref<800000x64xf32, #tpu.memory_space<hbm>> -> memref<40x64xf32, #tpu.memory_space<hbm>>
        %dma_start3A_24 = arith.constant 0 : i32
        %dma_start3A_25 = tpu.memref_slice %arg5[%mul3A_11, %dma_start3A_24] : memref<800000x64xf32, #tpu.memory_space<hbm>> -> memref<40x64xf32, #tpu.memory_space<hbm>>
        tpu.enqueue_dma source(%arg9 : memref<40x64xf32, #tpu.memory_space<vmem>>) target(%dma_start3A_25 : memref<40x64xf32, #tpu.memory_space<hbm>>) target_semaphore(%run_scoped3A : memref<!tpu.dma_semaphore, #tpu.memory_space<semaphore_mem>>)
        %dma_wait3A_26 = arith.constant 0 : i32
        %dma_wait3A_27 = tpu.memref_slice %arg5[%mul3A_11, %dma_wait3A_26] : memref<800000x64xf32, #tpu.memory_space<hbm>> -> memref<40x64xf32, #tpu.memory_space<hbm>>
        %dma_wait3A_28 = arith.constant 0 : i32
        %dma_wait3A_29 = tpu.memref_slice %arg5[%mul3A_11, %dma_wait3A_28] : memref<800000x64xf32, #tpu.memory_space<hbm>> -> memref<40x64xf32, #tpu.memory_space<hbm>>
        tpu.wait_dma2 semaphore(%run_scoped3A : memref<!tpu.dma_semaphore, #tpu.memory_space<semaphore_mem>>) src(%arg9 : memref<40x64xf32, #tpu.memory_space<vmem>>) dst(%dma_wait3A_29 : memref<40x64xf32, #tpu.memory_space<hbm>>)
        tpu.yield
      }) : () -> ()
    }
    %scan3A_5 = arith.constant 625 : i32
    return
  }
}

#map = affine_map<(d0, d1) -> (0, 0)>
#map1 = affine_map<(d0, d1) -> (0)>
module attributes {stable_mosaic.version = 14 : i64} {
  func.func @_edge_body(%arg0: i32, %arg1: i32, %arg2: memref<50000x128xf32, #tpu.memory_space<hbm>>, %arg3: memref<800000x64xf32, #tpu.memory_space<hbm>>, %arg4: memref<800000xi32, #tpu.memory_space<hbm>>, %arg5: memref<800000x64xf32, #tpu.memory_space<hbm>>, %arg6: memref<40xi32, #tpu.memory_space<vmem>>, %arg7: memref<40x128xf32, #tpu.memory_space<vmem>>, %arg8: memref<40x64xf32, #tpu.memory_space<vmem>>, %arg9: memref<40x64xf32, #tpu.memory_space<vmem>>, %arg10: memref<!tpu.dma_semaphore, #tpu.memory_space<semaphore_mem>>) attributes {dimension_semantics = [#tpu.dimension_semantics<core_parallel>, #tpu.dimension_semantics<subcore_parallel>], iteration_bounds = array<i64: 2, 16>, scalar_prefetch = 0 : i64, scratch_operands = 5 : i64, tpu.core_type = #tpu.core_type<sc_vector_subcore>, window_params = [{transform_indices = #map}, {transform_indices = #map}, {transform_indices = #map1}, {transform_indices = #map}]} {
    %mul3A = arith.constant 2 : i32
    %mul3A_0 = arith.muli %arg1, %mul3A : i32
    %add3A = arith.addi %mul3A_0, %arg0 : i32
    %scan3A = arith.constant 0 : i32
    %scan3A_1 = arith.constant 0 : i32
    %scan3A_2 = arith.constant 625 : i32
    %scan3A_3 = arith.addi %scan3A_1, %scan3A_2 : i32
    %scan3A_4 = arith.constant 1 : i32
    scf.for %scan3A_6 = %scan3A_1 to %scan3A_3 step %scan3A_4  : i32 {
      %mul3A_7 = arith.constant 625 : i32
      %mul3A_8 = arith.muli %add3A, %mul3A_7 : i32
      %add3A_9 = arith.addi %mul3A_8, %scan3A_6 : i32
      %mul3A_10 = arith.constant 40 : i32
      %mul3A_11 = arith.muli %add3A_9, %mul3A_10 : i32
      "tpu.region"() ({
        %run_scoped3A = tpu.sem_alloc : memref<!tpu.dma_semaphore, #tpu.memory_space<semaphore_mem>>
        %dma_start3A_22 = tpu.memref_slice %arg4[%mul3A_11] : memref<800000xi32, #tpu.memory_space<hbm>> -> memref<40xi32, #tpu.memory_space<hbm>>
        %dma_start3A_23 = tpu.memref_slice %arg4[%mul3A_11] : memref<800000xi32, #tpu.memory_space<hbm>> -> memref<40xi32, #tpu.memory_space<hbm>>
        tpu.enqueue_dma source(%dma_start3A_23 : memref<40xi32, #tpu.memory_space<hbm>>) target(%arg6 : memref<40xi32, #tpu.memory_space<vmem>>) target_semaphore(%run_scoped3A : memref<!tpu.dma_semaphore, #tpu.memory_space<semaphore_mem>>)
        %dma_wait3A_24 = tpu.memref_slice %arg4[%mul3A_11] : memref<800000xi32, #tpu.memory_space<hbm>> -> memref<40xi32, #tpu.memory_space<hbm>>
        %dma_wait3A_25 = tpu.memref_slice %arg4[%mul3A_11] : memref<800000xi32, #tpu.memory_space<hbm>> -> memref<40xi32, #tpu.memory_space<hbm>>
        tpu.wait_dma2 semaphore(%run_scoped3A : memref<!tpu.dma_semaphore, #tpu.memory_space<semaphore_mem>>) src(%dma_wait3A_25 : memref<40xi32, #tpu.memory_space<hbm>>) dst(%arg6 : memref<40xi32, #tpu.memory_space<vmem>>)
        tpu.yield
      }) : () -> ()
      %dma_start3A = arith.constant 0 : i32
      %dma_start3A_12 = arith.constant 0 : i32
      %dma_start3A_13 = tpu.memref_slice %arg2[%dma_start3A, %dma_start3A_12] : memref<50000x128xf32, #tpu.memory_space<hbm>> -> memref<50000x128xf32, #tpu.memory_space<hbm>>
      tpu.enqueue_indirect_dma source(%dma_start3A_13 : memref<50000x128xf32, #tpu.memory_space<hbm>>) target(%arg7 : memref<40x128xf32, #tpu.memory_space<vmem>>) offsets(%arg6 : memref<40xi32, #tpu.memory_space<vmem>>) semaphore(%arg10 : memref<!tpu.dma_semaphore, #tpu.memory_space<semaphore_mem>>)
      "tpu.region"() ({
        %run_scoped3A = tpu.sem_alloc : memref<!tpu.dma_semaphore, #tpu.memory_space<semaphore_mem>>
        %dma_start3A_22 = arith.constant 0 : i32
        %dma_start3A_23 = tpu.memref_slice %arg3[%mul3A_11, %dma_start3A_22] : memref<800000x64xf32, #tpu.memory_space<hbm>> -> memref<40x64xf32, #tpu.memory_space<hbm>>
        %dma_start3A_24 = arith.constant 0 : i32
        %dma_start3A_25 = tpu.memref_slice %arg3[%mul3A_11, %dma_start3A_24] : memref<800000x64xf32, #tpu.memory_space<hbm>> -> memref<40x64xf32, #tpu.memory_space<hbm>>
        tpu.enqueue_dma source(%dma_start3A_25 : memref<40x64xf32, #tpu.memory_space<hbm>>) target(%arg8 : memref<40x64xf32, #tpu.memory_space<vmem>>) target_semaphore(%run_scoped3A : memref<!tpu.dma_semaphore, #tpu.memory_space<semaphore_mem>>)
        %dma_wait3A_26 = arith.constant 0 : i32
        %dma_wait3A_27 = tpu.memref_slice %arg3[%mul3A_11, %dma_wait3A_26] : memref<800000x64xf32, #tpu.memory_space<hbm>> -> memref<40x64xf32, #tpu.memory_space<hbm>>
        %dma_wait3A_28 = arith.constant 0 : i32
        %dma_wait3A_29 = tpu.memref_slice %arg3[%mul3A_11, %dma_wait3A_28] : memref<800000x64xf32, #tpu.memory_space<hbm>> -> memref<40x64xf32, #tpu.memory_space<hbm>>
        tpu.wait_dma2 semaphore(%run_scoped3A : memref<!tpu.dma_semaphore, #tpu.memory_space<semaphore_mem>>) src(%dma_wait3A_29 : memref<40x64xf32, #tpu.memory_space<hbm>>) dst(%arg8 : memref<40x64xf32, #tpu.memory_space<vmem>>)
        tpu.yield
      }) : () -> ()
      %dma_wait3A = arith.constant 0 : i32
      %dma_wait3A_14 = arith.constant 0 : i32
      %dma_wait3A_15 = tpu.memref_slice %arg2[%dma_wait3A, %dma_wait3A_14] : memref<50000x128xf32, #tpu.memory_space<hbm>> -> memref<50000x128xf32, #tpu.memory_space<hbm>>
      tpu.wait_indirect_dma semaphore(%arg10 : memref<!tpu.dma_semaphore, #tpu.memory_space<semaphore_mem>>) src(%dma_wait3A_15 : memref<50000x128xf32, #tpu.memory_space<hbm>>) dst(%arg7 : memref<40x128xf32, #tpu.memory_space<vmem>>)
      %scan3A_16 = arith.constant 0 : i32
      %scan3A_17 = arith.constant 0 : i32
      %scan3A_18 = arith.constant 40 : i32
      %scan3A_19 = arith.addi %scan3A_17, %scan3A_18 : i32
      %scan3A_20 = arith.constant 1 : i32
      scf.for %scan3A_22 = %scan3A_17 to %scan3A_19 step %scan3A_20  : i32 {
        %get3A = arith.index_cast %scan3A_22 : i32 to index
        %get3A_23 = arith.constant 0 : index
        %get3A_24 = tpu.vector_load %arg7[%get3A, %get3A_23] {strides = array<i32>} : memref<40x128xf32, #tpu.memory_space<vmem>>, vector<1x16xf32>,
        %get3A_25 = vector.shape_cast %get3A_24 : vector<1x16xf32> to vector<16xf32>
        %get3A_26 = arith.index_cast %scan3A_22 : i32 to index
        %get3A_27 = arith.constant 0 : index
        %get3A_28 = tpu.vector_load %arg8[%get3A_26, %get3A_27] {strides = array<i32>} : memref<40x64xf32, #tpu.memory_space<vmem>>, vector<1x16xf32>,
        %get3A_29 = vector.shape_cast %get3A_28 : vector<1x16xf32> to vector<16xf32>
        %mul3A_30 = arith.mulf %get3A_25, %get3A_29 : vector<16xf32>
        %swap3A = arith.index_cast %scan3A_22 : i32 to index
        %swap3A_31 = arith.constant 0 : index
        %swap3A_32 = tpu.vector_load %arg9[%swap3A, %swap3A_31] {strides = array<i32>} : memref<40x64xf32, #tpu.memory_space<vmem>>, vector<1x16xf32>,
        %swap3A_33 = vector.shape_cast %swap3A_32 : vector<1x16xf32> to vector<16xf32>
        %swap3A_34 = vector.shape_cast %mul3A_30 : vector<16xf32> to vector<1x16xf32>
        tpu.vector_store %arg9[%swap3A, %swap3A_31], %swap3A_34 {strides = array<i32>} : memref<40x64xf32, #tpu.memory_space<vmem>>, vector<1x16xf32>,
        %get3A_35 = arith.index_cast %scan3A_22 : i32 to index
        %get3A_36 = arith.constant 16 : index
        %get3A_37 = tpu.vector_load %arg7[%get3A_35, %get3A_36] {strides = array<i32>} : memref<40x128xf32, #tpu.memory_space<vmem>>, vector<1x16xf32>,
        %get3A_38 = vector.shape_cast %get3A_37 : vector<1x16xf32> to vector<16xf32>
        %get3A_39 = arith.index_cast %scan3A_22 : i32 to index
        %get3A_40 = arith.constant 16 : index
        %get3A_41 = tpu.vector_load %arg8[%get3A_39, %get3A_40] {strides = array<i32>} : memref<40x64xf32, #tpu.memory_space<vmem>>, vector<1x16xf32>,
        %get3A_42 = vector.shape_cast %get3A_41 : vector<1x16xf32> to vector<16xf32>
        %mul3A_43 = arith.mulf %get3A_38, %get3A_42 : vector<16xf32>
        %swap3A_44 = arith.index_cast %scan3A_22 : i32 to index
        %swap3A_45 = arith.constant 16 : index
        %swap3A_46 = tpu.vector_load %arg9[%swap3A_44, %swap3A_45] {strides = array<i32>} : memref<40x64xf32, #tpu.memory_space<vmem>>, vector<1x16xf32>,
        %swap3A_47 = vector.shape_cast %swap3A_46 : vector<1x16xf32> to vector<16xf32>
        %swap3A_48 = vector.shape_cast %mul3A_43 : vector<16xf32> to vector<1x16xf32>
        tpu.vector_store %arg9[%swap3A_44, %swap3A_45], %swap3A_48 {strides = array<i32>} : memref<40x64xf32, #tpu.memory_space<vmem>>, vector<1x16xf32>,
        %get3A_49 = arith.index_cast %scan3A_22 : i32 to index
        %get3A_50 = arith.constant 32 : index
        %get3A_51 = tpu.vector_load %arg7[%get3A_49, %get3A_50] {strides = array<i32>} : memref<40x128xf32, #tpu.memory_space<vmem>>, vector<1x16xf32>,
        %get3A_52 = vector.shape_cast %get3A_51 : vector<1x16xf32> to vector<16xf32>
        %get3A_53 = arith.index_cast %scan3A_22 : i32 to index
        %get3A_54 = arith.constant 32 : index
        %get3A_55 = tpu.vector_load %arg8[%get3A_53, %get3A_54] {strides = array<i32>} : memref<40x64xf32, #tpu.memory_space<vmem>>, vector<1x16xf32>,
        %get3A_56 = vector.shape_cast %get3A_55 : vector<1x16xf32> to vector<16xf32>
        %mul3A_57 = arith.mulf %get3A_52, %get3A_56 : vector<16xf32>
        %swap3A_58 = arith.index_cast %scan3A_22 : i32 to index
        %swap3A_59 = arith.constant 32 : index
        %swap3A_60 = tpu.vector_load %arg9[%swap3A_58, %swap3A_59] {strides = array<i32>} : memref<40x64xf32, #tpu.memory_space<vmem>>, vector<1x16xf32>,
        %swap3A_61 = vector.shape_cast %swap3A_60 : vector<1x16xf32> to vector<16xf32>
        %swap3A_62 = vector.shape_cast %mul3A_57 : vector<16xf32> to vector<1x16xf32>
        tpu.vector_store %arg9[%swap3A_58, %swap3A_59], %swap3A_62 {strides = array<i32>} : memref<40x64xf32, #tpu.memory_space<vmem>>, vector<1x16xf32>,
        %get3A_63 = arith.index_cast %scan3A_22 : i32 to index
        %get3A_64 = arith.constant 48 : index
        %get3A_65 = tpu.vector_load %arg7[%get3A_63, %get3A_64] {strides = array<i32>} : memref<40x128xf32, #tpu.memory_space<vmem>>, vector<1x16xf32>,
        %get3A_66 = vector.shape_cast %get3A_65 : vector<1x16xf32> to vector<16xf32>
        %get3A_67 = arith.index_cast %scan3A_22 : i32 to index
        %get3A_68 = arith.constant 48 : index
        %get3A_69 = tpu.vector_load %arg8[%get3A_67, %get3A_68] {strides = array<i32>} : memref<40x64xf32, #tpu.memory_space<vmem>>, vector<1x16xf32>,
        %get3A_70 = vector.shape_cast %get3A_69 : vector<1x16xf32> to vector<16xf32>
        %mul3A_71 = arith.mulf %get3A_66, %get3A_70 : vector<16xf32>
        %swap3A_72 = arith.index_cast %scan3A_22 : i32 to index
        %swap3A_73 = arith.constant 48 : index
        %swap3A_74 = tpu.vector_load %arg9[%swap3A_72, %swap3A_73] {strides = array<i32>} : memref<40x64xf32, #tpu.memory_space<vmem>>, vector<1x16xf32>,
        %swap3A_75 = vector.shape_cast %swap3A_74 : vector<1x16xf32> to vector<16xf32>
        %swap3A_76 = vector.shape_cast %mul3A_71 : vector<16xf32> to vector<1x16xf32>
        tpu.vector_store %arg9[%swap3A_72, %swap3A_73], %swap3A_76 {strides = array<i32>} : memref<40x64xf32, #tpu.memory_space<vmem>>, vector<1x16xf32>,
      }
      %scan3A_21 = arith.constant 40 : i32
      "tpu.region"() ({
        %run_scoped3A = tpu.sem_alloc : memref<!tpu.dma_semaphore, #tpu.memory_space<semaphore_mem>>
        %dma_start3A_22 = arith.constant 0 : i32
        %dma_start3A_23 = tpu.memref_slice %arg5[%mul3A_11, %dma_start3A_22] : memref<800000x64xf32, #tpu.memory_space<hbm>> -> memref<40x64xf32, #tpu.memory_space<hbm>>
        %dma_start3A_24 = arith.constant 0 : i32
        %dma_start3A_25 = tpu.memref_slice %arg5[%mul3A_11, %dma_start3A_24] : memref<800000x64xf32, #tpu.memory_space<hbm>> -> memref<40x64xf32, #tpu.memory_space<hbm>>
        tpu.enqueue_dma source(%arg9 : memref<40x64xf32, #tpu.memory_space<vmem>>) target(%dma_start3A_25 : memref<40x64xf32, #tpu.memory_space<hbm>>) target_semaphore(%run_scoped3A : memref<!tpu.dma_semaphore, #tpu.memory_space<semaphore_mem>>)
        %dma_wait3A_26 = arith.constant 0 : i32
        %dma_wait3A_27 = tpu.memref_slice %arg5[%mul3A_11, %dma_wait3A_26] : memref<800000x64xf32, #tpu.memory_space<hbm>> -> memref<40x64xf32, #tpu.memory_space<hbm>>
        %dma_wait3A_28 = arith.constant 0 : i32
        %dma_wait3A_29 = tpu.memref_slice %arg5[%mul3A_11, %dma_wait3A_28] : memref<800000x64xf32, #tpu.memory_space<hbm>> -> memref<40x64xf32, #tpu.memory_space<hbm>>
        tpu.wait_dma2 semaphore(%run_scoped3A : memref<!tpu.dma_semaphore, #tpu.memory_space<semaphore_mem>>) src(%arg9 : memref<40x64xf32, #tpu.memory_space<vmem>>) dst(%dma_wait3A_29 : memref<40x64xf32, #tpu.memory_space<hbm>>)
        tpu.yield
      }) : () -> ()
    }
    %scan3A_5 = arith.constant 625 : i32
    return
  }
}

#map = affine_map<(d0, d1) -> (0, 0)>
#map1 = affine_map<(d0, d1) -> (0)>
module attributes {stable_mosaic.version = 14 : i64} {
  func.func @_edge_body(%arg0: i32, %arg1: i32, %arg2: memref<50000x128xf32, #tpu.memory_space<hbm>>, %arg3: memref<800000x64xf32, #tpu.memory_space<hbm>>, %arg4: memref<800000xi32, #tpu.memory_space<hbm>>, %arg5: memref<800000x64xf32, #tpu.memory_space<hbm>>, %arg6: memref<40xi32, #tpu.memory_space<vmem>>, %arg7: memref<40x128xf32, #tpu.memory_space<vmem>>, %arg8: memref<40x64xf32, #tpu.memory_space<vmem>>, %arg9: memref<40x64xf32, #tpu.memory_space<vmem>>, %arg10: memref<!tpu.dma_semaphore, #tpu.memory_space<semaphore_mem>>) attributes {dimension_semantics = [#tpu.dimension_semantics<core_parallel>, #tpu.dimension_semantics<subcore_parallel>], iteration_bounds = array<i64: 2, 16>, scalar_prefetch = 0 : i64, scratch_operands = 5 : i64, tpu.core_type = #tpu.core_type<sc_vector_subcore>, window_params = [{transform_indices = #map}, {transform_indices = #map}, {transform_indices = #map1}, {transform_indices = #map}]} {
    %mul3A = arith.constant 2 : i32
    %mul3A_0 = arith.muli %arg1, %mul3A : i32
    %add3A = arith.addi %mul3A_0, %arg0 : i32
    %scan3A = arith.constant 0 : i32
    %scan3A_1 = arith.constant 0 : i32
    %scan3A_2 = arith.constant 625 : i32
    %scan3A_3 = arith.addi %scan3A_1, %scan3A_2 : i32
    %scan3A_4 = arith.constant 1 : i32
    scf.for %scan3A_6 = %scan3A_1 to %scan3A_3 step %scan3A_4  : i32 {
      %mul3A_7 = arith.constant 625 : i32
      %mul3A_8 = arith.muli %add3A, %mul3A_7 : i32
      %add3A_9 = arith.addi %mul3A_8, %scan3A_6 : i32
      %mul3A_10 = arith.constant 40 : i32
      %mul3A_11 = arith.muli %add3A_9, %mul3A_10 : i32
      "tpu.region"() ({
        %run_scoped3A = tpu.sem_alloc : memref<!tpu.dma_semaphore, #tpu.memory_space<semaphore_mem>>
        %dma_start3A_22 = tpu.memref_slice %arg4[%mul3A_11] : memref<800000xi32, #tpu.memory_space<hbm>> -> memref<40xi32, #tpu.memory_space<hbm>>
        %dma_start3A_23 = tpu.memref_slice %arg4[%mul3A_11] : memref<800000xi32, #tpu.memory_space<hbm>> -> memref<40xi32, #tpu.memory_space<hbm>>
        tpu.enqueue_dma source(%dma_start3A_23 : memref<40xi32, #tpu.memory_space<hbm>>) target(%arg6 : memref<40xi32, #tpu.memory_space<vmem>>) target_semaphore(%run_scoped3A : memref<!tpu.dma_semaphore, #tpu.memory_space<semaphore_mem>>)
        %dma_wait3A_24 = tpu.memref_slice %arg4[%mul3A_11] : memref<800000xi32, #tpu.memory_space<hbm>> -> memref<40xi32, #tpu.memory_space<hbm>>
        %dma_wait3A_25 = tpu.memref_slice %arg4[%mul3A_11] : memref<800000xi32, #tpu.memory_space<hbm>> -> memref<40xi32, #tpu.memory_space<hbm>>
        tpu.wait_dma2 semaphore(%run_scoped3A : memref<!tpu.dma_semaphore, #tpu.memory_space<semaphore_mem>>) src(%dma_wait3A_25 : memref<40xi32, #tpu.memory_space<hbm>>) dst(%arg6 : memref<40xi32, #tpu.memory_space<vmem>>)
        tpu.yield
      }) : () -> ()
      %dma_start3A = arith.constant 0 : i32
      %dma_start3A_12 = arith.constant 0 : i32
      %dma_start3A_13 = tpu.memref_slice %arg2[%dma_start3A, %dma_start3A_12] : memref<50000x128xf32, #tpu.memory_space<hbm>> -> memref<50000x128xf32, #tpu.memory_space<hbm>>
      tpu.enqueue_indirect_dma source(%dma_start3A_13 : memref<50000x128xf32, #tpu.memory_space<hbm>>) target(%arg7 : memref<40x128xf32, #tpu.memory_space<vmem>>) offsets(%arg6 : memref<40xi32, #tpu.memory_space<vmem>>) semaphore(%arg10 : memref<!tpu.dma_semaphore, #tpu.memory_space<semaphore_mem>>)
      "tpu.region"() ({
        %run_scoped3A = tpu.sem_alloc : memref<!tpu.dma_semaphore, #tpu.memory_space<semaphore_mem>>
        %dma_start3A_22 = arith.constant 0 : i32
        %dma_start3A_23 = tpu.memref_slice %arg3[%mul3A_11, %dma_start3A_22] : memref<800000x64xf32, #tpu.memory_space<hbm>> -> memref<40x64xf32, #tpu.memory_space<hbm>>
        %dma_start3A_24 = arith.constant 0 : i32
        %dma_start3A_25 = tpu.memref_slice %arg3[%mul3A_11, %dma_start3A_24] : memref<800000x64xf32, #tpu.memory_space<hbm>> -> memref<40x64xf32, #tpu.memory_space<hbm>>
        tpu.enqueue_dma source(%dma_start3A_25 : memref<40x64xf32, #tpu.memory_space<hbm>>) target(%arg8 : memref<40x64xf32, #tpu.memory_space<vmem>>) target_semaphore(%run_scoped3A : memref<!tpu.dma_semaphore, #tpu.memory_space<semaphore_mem>>)
        %dma_wait3A_26 = arith.constant 0 : i32
        %dma_wait3A_27 = tpu.memref_slice %arg3[%mul3A_11, %dma_wait3A_26] : memref<800000x64xf32, #tpu.memory_space<hbm>> -> memref<40x64xf32, #tpu.memory_space<hbm>>
        %dma_wait3A_28 = arith.constant 0 : i32
        %dma_wait3A_29 = tpu.memref_slice %arg3[%mul3A_11, %dma_wait3A_28] : memref<800000x64xf32, #tpu.memory_space<hbm>> -> memref<40x64xf32, #tpu.memory_space<hbm>>
        tpu.wait_dma2 semaphore(%run_scoped3A : memref<!tpu.dma_semaphore, #tpu.memory_space<semaphore_mem>>) src(%dma_wait3A_29 : memref<40x64xf32, #tpu.memory_space<hbm>>) dst(%arg8 : memref<40x64xf32, #tpu.memory_space<vmem>>)
        tpu.yield
      }) : () -> ()
      %dma_wait3A = arith.constant 0 : i32
      %dma_wait3A_14 = arith.constant 0 : i32
      %dma_wait3A_15 = tpu.memref_slice %arg2[%dma_wait3A, %dma_wait3A_14] : memref<50000x128xf32, #tpu.memory_space<hbm>> -> memref<50000x128xf32, #tpu.memory_space<hbm>>
      tpu.wait_indirect_dma semaphore(%arg10 : memref<!tpu.dma_semaphore, #tpu.memory_space<semaphore_mem>>) src(%dma_wait3A_15 : memref<50000x128xf32, #tpu.memory_space<hbm>>) dst(%arg7 : memref<40x128xf32, #tpu.memory_space<vmem>>)
      %scan3A_16 = arith.constant 0 : i32
      %scan3A_17 = arith.constant 0 : i32
      %scan3A_18 = arith.constant 40 : i32
      %scan3A_19 = arith.addi %scan3A_17, %scan3A_18 : i32
      %scan3A_20 = arith.constant 1 : i32
      scf.for %scan3A_22 = %scan3A_17 to %scan3A_19 step %scan3A_20  : i32 {
        %get3A = arith.index_cast %scan3A_22 : i32 to index
        %get3A_23 = arith.constant 0 : index
        %get3A_24 = tpu.vector_load %arg7[%get3A, %get3A_23] {strides = array<i32>} : memref<40x128xf32, #tpu.memory_space<vmem>>, vector<1x16xf32>,
        %get3A_25 = vector.shape_cast %get3A_24 : vector<1x16xf32> to vector<16xf32>
        %get3A_26 = arith.index_cast %scan3A_22 : i32 to index
        %get3A_27 = arith.constant 0 : index
        %get3A_28 = tpu.vector_load %arg8[%get3A_26, %get3A_27] {strides = array<i32>} : memref<40x64xf32, #tpu.memory_space<vmem>>, vector<1x16xf32>,
        %get3A_29 = vector.shape_cast %get3A_28 : vector<1x16xf32> to vector<16xf32>
        %mul3A_30 = arith.mulf %get3A_25, %get3A_29 : vector<16xf32>
        %swap3A = arith.index_cast %scan3A_22 : i32 to index
        %swap3A_31 = arith.constant 0 : index
        %swap3A_32 = tpu.vector_load %arg9[%swap3A, %swap3A_31] {strides = array<i32>} : memref<40x64xf32, #tpu.memory_space<vmem>>, vector<1x16xf32>,
        %swap3A_33 = vector.shape_cast %swap3A_32 : vector<1x16xf32> to vector<16xf32>
        %swap3A_34 = vector.shape_cast %mul3A_30 : vector<16xf32> to vector<1x16xf32>
        tpu.vector_store %arg9[%swap3A, %swap3A_31], %swap3A_34 {strides = array<i32>} : memref<40x64xf32, #tpu.memory_space<vmem>>, vector<1x16xf32>,
        %get3A_35 = arith.index_cast %scan3A_22 : i32 to index
        %get3A_36 = arith.constant 16 : index
        %get3A_37 = tpu.vector_load %arg7[%get3A_35, %get3A_36] {strides = array<i32>} : memref<40x128xf32, #tpu.memory_space<vmem>>, vector<1x16xf32>,
        %get3A_38 = vector.shape_cast %get3A_37 : vector<1x16xf32> to vector<16xf32>
        %get3A_39 = arith.index_cast %scan3A_22 : i32 to index
        %get3A_40 = arith.constant 16 : index
        %get3A_41 = tpu.vector_load %arg8[%get3A_39, %get3A_40] {strides = array<i32>} : memref<40x64xf32, #tpu.memory_space<vmem>>, vector<1x16xf32>,
        %get3A_42 = vector.shape_cast %get3A_41 : vector<1x16xf32> to vector<16xf32>
        %mul3A_43 = arith.mulf %get3A_38, %get3A_42 : vector<16xf32>
        %swap3A_44 = arith.index_cast %scan3A_22 : i32 to index
        %swap3A_45 = arith.constant 16 : index
        %swap3A_46 = tpu.vector_load %arg9[%swap3A_44, %swap3A_45] {strides = array<i32>} : memref<40x64xf32, #tpu.memory_space<vmem>>, vector<1x16xf32>,
        %swap3A_47 = vector.shape_cast %swap3A_46 : vector<1x16xf32> to vector<16xf32>
        %swap3A_48 = vector.shape_cast %mul3A_43 : vector<16xf32> to vector<1x16xf32>
        tpu.vector_store %arg9[%swap3A_44, %swap3A_45], %swap3A_48 {strides = array<i32>} : memref<40x64xf32, #tpu.memory_space<vmem>>, vector<1x16xf32>,
        %get3A_49 = arith.index_cast %scan3A_22 : i32 to index
        %get3A_50 = arith.constant 32 : index
        %get3A_51 = tpu.vector_load %arg7[%get3A_49, %get3A_50] {strides = array<i32>} : memref<40x128xf32, #tpu.memory_space<vmem>>, vector<1x16xf32>,
        %get3A_52 = vector.shape_cast %get3A_51 : vector<1x16xf32> to vector<16xf32>
        %get3A_53 = arith.index_cast %scan3A_22 : i32 to index
        %get3A_54 = arith.constant 32 : index
        %get3A_55 = tpu.vector_load %arg8[%get3A_53, %get3A_54] {strides = array<i32>} : memref<40x64xf32, #tpu.memory_space<vmem>>, vector<1x16xf32>,
        %get3A_56 = vector.shape_cast %get3A_55 : vector<1x16xf32> to vector<16xf32>
        %mul3A_57 = arith.mulf %get3A_52, %get3A_56 : vector<16xf32>
        %swap3A_58 = arith.index_cast %scan3A_22 : i32 to index
        %swap3A_59 = arith.constant 32 : index
        %swap3A_60 = tpu.vector_load %arg9[%swap3A_58, %swap3A_59] {strides = array<i32>} : memref<40x64xf32, #tpu.memory_space<vmem>>, vector<1x16xf32>,
        %swap3A_61 = vector.shape_cast %swap3A_60 : vector<1x16xf32> to vector<16xf32>
        %swap3A_62 = vector.shape_cast %mul3A_57 : vector<16xf32> to vector<1x16xf32>
        tpu.vector_store %arg9[%swap3A_58, %swap3A_59], %swap3A_62 {strides = array<i32>} : memref<40x64xf32, #tpu.memory_space<vmem>>, vector<1x16xf32>,
        %get3A_63 = arith.index_cast %scan3A_22 : i32 to index
        %get3A_64 = arith.constant 48 : index
        %get3A_65 = tpu.vector_load %arg7[%get3A_63, %get3A_64] {strides = array<i32>} : memref<40x128xf32, #tpu.memory_space<vmem>>, vector<1x16xf32>,
        %get3A_66 = vector.shape_cast %get3A_65 : vector<1x16xf32> to vector<16xf32>
        %get3A_67 = arith.index_cast %scan3A_22 : i32 to index
        %get3A_68 = arith.constant 48 : index
        %get3A_69 = tpu.vector_load %arg8[%get3A_67, %get3A_68] {strides = array<i32>} : memref<40x64xf32, #tpu.memory_space<vmem>>, vector<1x16xf32>,
        %get3A_70 = vector.shape_cast %get3A_69 : vector<1x16xf32> to vector<16xf32>
        %mul3A_71 = arith.mulf %get3A_66, %get3A_70 : vector<16xf32>
        %swap3A_72 = arith.index_cast %scan3A_22 : i32 to index
        %swap3A_73 = arith.constant 48 : index
        %swap3A_74 = tpu.vector_load %arg9[%swap3A_72, %swap3A_73] {strides = array<i32>} : memref<40x64xf32, #tpu.memory_space<vmem>>, vector<1x16xf32>,
        %swap3A_75 = vector.shape_cast %swap3A_74 : vector<1x16xf32> to vector<16xf32>
        %swap3A_76 = vector.shape_cast %mul3A_71 : vector<16xf32> to vector<1x16xf32>
        tpu.vector_store %arg9[%swap3A_72, %swap3A_73], %swap3A_76 {strides = array<i32>} : memref<40x64xf32, #tpu.memory_space<vmem>>, vector<1x16xf32>,
      }
      %scan3A_21 = arith.constant 40 : i32
      "tpu.region"() ({
        %run_scoped3A = tpu.sem_alloc : memref<!tpu.dma_semaphore, #tpu.memory_space<semaphore_mem>>
        %dma_start3A_22 = arith.constant 0 : i32
        %dma_start3A_23 = tpu.memref_slice %arg5[%mul3A_11, %dma_start3A_22] : memref<800000x64xf32, #tpu.memory_space<hbm>> -> memref<40x64xf32, #tpu.memory_space<hbm>>
        %dma_start3A_24 = arith.constant 0 : i32
        %dma_start3A_25 = tpu.memref_slice %arg5[%mul3A_11, %dma_start3A_24] : memref<800000x64xf32, #tpu.memory_space<hbm>> -> memref<40x64xf32, #tpu.memory_space<hbm>>
        tpu.enqueue_dma source(%arg9 : memref<40x64xf32, #tpu.memory_space<vmem>>) target(%dma_start3A_25 : memref<40x64xf32, #tpu.memory_space<hbm>>) target_semaphore(%run_scoped3A : memref<!tpu.dma_semaphore, #tpu.memory_space<semaphore_mem>>)
        %dma_wait3A_26 = arith.constant 0 : i32
        %dma_wait3A_27 = tpu.memref_slice %arg5[%mul3A_11, %dma_wait3A_26] : memref<800000x64xf32, #tpu.memory_space<hbm>> -> memref<40x64xf32, #tpu.memory_space<hbm>>
        %dma_wait3A_28 = arith.constant 0 : i32
        %dma_wait3A_29 = tpu.memref_slice %arg5[%mul3A_11, %dma_wait3A_28] : memref<800000x64xf32, #tpu.memory_space<hbm>> -> memref<40x64xf32, #tpu.memory_space<hbm>>
        tpu.wait_dma2 semaphore(%run_scoped3A : memref<!tpu.dma_semaphore, #tpu.memory_space<semaphore_mem>>) src(%arg9 : memref<40x64xf32, #tpu.memory_space<vmem>>) dst(%dma_wait3A_29 : memref<40x64xf32, #tpu.memory_space<hbm>>)
        tpu.yield
      }) : () -> ()
    }
    %scan3A_5 = arith.constant 625 : i32
    return
  }
}

module attributes {stable_mosaic.version = 14 : i64} {
  func.func @_filters_body(%arg0: i32, %arg1: memref<4000x1xf32, #tpu.memory_space<vmem>>, %arg2: memref<1x50xf32, #tpu.memory_space<vmem>>, %arg3: memref<50x192xf32, #tpu.memory_space<vmem>>, %arg4: memref<1x192xf32, #tpu.memory_space<vmem>>, %arg5: memref<4000x64xf32, #tpu.memory_space<vmem>>, %arg6: memref<4000x64xf32, #tpu.memory_space<vmem>>, %arg7: memref<4000x64xf32, #tpu.memory_space<vmem>>) attributes {dimension_semantics = [#tpu.dimension_semantics<arbitrary>], iteration_bounds = array<i64: 200>, scalar_prefetch = 0 : i64, scratch_operands = 0 : i64, tpu.core_type = #tpu.core_type<tc>, window_params = [{transform_indices = @transform_0, window_bounds = array<i64: 4000, 1>}, {pipeline_mode = #tpu.pipeline_mode<synchronous>, transform_indices = @transform_1, window_bounds = array<i64: 1, 50>}, {pipeline_mode = #tpu.pipeline_mode<synchronous>, transform_indices = @transform_2, window_bounds = array<i64: 50, 192>}, {pipeline_mode = #tpu.pipeline_mode<synchronous>, transform_indices = @transform_3, window_bounds = array<i64: 1, 192>}, {transform_indices = @transform_4, window_bounds = array<i64: 4000, 64>}, {transform_indices = @transform_5, window_bounds = array<i64: 4000, 64>}, {transform_indices = @transform_6, window_bounds = array<i64: 4000, 64>}]} {
    %get3A = arith.constant 0 : index
    %get3A_0 = arith.constant 0 : index
    %get3A_1 = vector.load %arg1[%get3A, %get3A_0] : memref<4000x1xf32, #tpu.memory_space<vmem>>, vector<4000x1xf32>
    %get3A_2 = arith.constant 0 : index
    %get3A_3 = arith.constant 0 : index
    %get3A_4 = vector.load %arg2[%get3A_2, %get3A_3] : memref<1x50xf32, #tpu.memory_space<vmem>>, vector<1x50xf32>
    %sub3A = vector.broadcast %get3A_1 : vector<4000x1xf32> to vector<4000x50xf32>
    %sub3A_5 = vector.broadcast %get3A_4 : vector<1x50xf32> to vector<4000x50xf32>
    %sub3A_6 = arith.subf %sub3A, %sub3A_5 : vector<4000x50xf32>
    %integer_pow3A = arith.mulf %sub3A_6, %sub3A_6 : vector<4000x50xf32>
    %mul3A = arith.constant -59.2839508 : f32
    %mul3A_7 = vector.broadcast %mul3A : f32 to vector<4000x50xf32>
    %mul3A_8 = arith.mulf %mul3A_7, %integer_pow3A : vector<4000x50xf32>
    %exp3A = math.exp %mul3A_8 : vector<4000x50xf32>
    %get3A_9 = arith.constant 0 : index
    %get3A_10 = arith.constant 0 : index
    %get3A_11 = vector.load %arg3[%get3A_9, %get3A_10] : memref<50x192xf32, #tpu.memory_space<vmem>>, vector<50x192xf32>
    %dot_general3A = arith.constant dense<0.000000e+00> : vector<4000x192xf32>
    %dot_general3A_12 = tpu.matmul %exp3A, %get3A_11, %dot_general3A {dimension_numbers = #tpu.dot_dimension_numbers<[1], [0], [0], [1], [0, 0, 1, 1], [], []>, transpose_lhs_hint = false} : vector<4000x50xf32>, vector<50x192xf32>, vector<4000x192xf32> -> vector<4000x192xf32>
    %get3A_13 = arith.constant 0 : index
    %get3A_14 = arith.constant 0 : index
    %get3A_15 = vector.load %arg4[%get3A_13, %get3A_14] : memref<1x192xf32, #tpu.memory_space<vmem>>, vector<1x192xf32>
    %add3A = vector.broadcast %get3A_15 : vector<1x192xf32> to vector<4000x192xf32>
    %add3A_16 = arith.addf %dot_general3A_12, %add3A : vector<4000x192xf32>
    %mul3A_17 = arith.constant 0.69813168 : f32
    %mul3A_18 = vector.broadcast %mul3A_17 : f32 to vector<4000x1xf32>
    %mul3A_19 = arith.mulf %get3A_1, %mul3A_18 : vector<4000x1xf32>
    %cos3A = math.cos %mul3A_19 : vector<4000x1xf32>
    %add3A_20 = arith.constant 1.000000e+00 : f32
    %add3A_21 = vector.broadcast %add3A_20 : f32 to vector<4000x1xf32>
    %add3A_22 = arith.addf %cos3A, %add3A_21 : vector<4000x1xf32>
    %mul3A_23 = arith.constant 5.000000e-01 : f32
    %mul3A_24 = vector.broadcast %mul3A_23 : f32 to vector<4000x1xf32>
    %mul3A_25 = arith.mulf %mul3A_24, %add3A_22 : vector<4000x1xf32>
    %mul3A_26 = vector.broadcast %mul3A_25 : vector<4000x1xf32> to vector<4000x192xf32>
    %mul3A_27 = arith.mulf %add3A_16, %mul3A_26 : vector<4000x192xf32>
    %slice3A = vector.extract_strided_slice %mul3A_27 {offsets = [0, 0], sizes = [4000, 64], strides = [1, 1]} : vector<4000x192xf32> to vector<4000x64xf32>
    %swap3A = arith.constant 0 : index
    %swap3A_28 = arith.constant 0 : index
    %swap3A_29 = vector.load %arg5[%swap3A, %swap3A_28] : memref<4000x64xf32, #tpu.memory_space<vmem>>, vector<4000x64xf32>
    tpu.vector_store %arg5[%swap3A, %swap3A_28], %slice3A {strides = array<i32>} : memref<4000x64xf32, #tpu.memory_space<vmem>>, vector<4000x64xf32>,
    %slice3A_30 = vector.extract_strided_slice %mul3A_27 {offsets = [0, 64], sizes = [4000, 64], strides = [1, 1]} : vector<4000x192xf32> to vector<4000x64xf32>
    %swap3A_31 = arith.constant 0 : index
    %swap3A_32 = arith.constant 0 : index
    %swap3A_33 = vector.load %arg6[%swap3A_31, %swap3A_32] : memref<4000x64xf32, #tpu.memory_space<vmem>>, vector<4000x64xf32>
    tpu.vector_store %arg6[%swap3A_31, %swap3A_32], %slice3A_30 {strides = array<i32>} : memref<4000x64xf32, #tpu.memory_space<vmem>>, vector<4000x64xf32>,
    %slice3A_34 = vector.extract_strided_slice %mul3A_27 {offsets = [0, 128], sizes = [4000, 64], strides = [1, 1]} : vector<4000x192xf32> to vector<4000x64xf32>
    %swap3A_35 = arith.constant 0 : index
    %swap3A_36 = arith.constant 0 : index
    %swap3A_37 = vector.load %arg7[%swap3A_35, %swap3A_36] : memref<4000x64xf32, #tpu.memory_space<vmem>>, vector<4000x64xf32>
    tpu.vector_store %arg7[%swap3A_35, %swap3A_36], %slice3A_34 {strides = array<i32>} : memref<4000x64xf32, #tpu.memory_space<vmem>>, vector<4000x64xf32>,
    return
  }
  func.func @transform_0(%arg0: i32) -> (i32, i32) {
    %c0_i32 = arith.constant 0 : i32
    %c0_i32_0 = arith.constant 0 : i32
    return %arg0, %c0_i32 : i32, i32
  }
  func.func @transform_1(%arg0: i32) -> (i32, i32) {
    %c0_i32 = arith.constant 0 : i32
    %c0_i32_0 = arith.constant 0 : i32
    %c0_i32_1 = arith.constant 0 : i32
    return %c0_i32, %c0_i32_0 : i32, i32
  }
  func.func @transform_2(%arg0: i32) -> (i32, i32) {
    %c0_i32 = arith.constant 0 : i32
    %c0_i32_0 = arith.constant 0 : i32
    %c0_i32_1 = arith.constant 0 : i32
    return %c0_i32, %c0_i32_0 : i32, i32
  }
  func.func @transform_3(%arg0: i32) -> (i32, i32) {
    %c0_i32 = arith.constant 0 : i32
    %c0_i32_0 = arith.constant 0 : i32
    %c0_i32_1 = arith.constant 0 : i32
    return %c0_i32, %c0_i32_0 : i32, i32
  }
  func.func @transform_4(%arg0: i32) -> (i32, i32) {
    %c0_i32 = arith.constant 0 : i32
    %c0_i32_0 = arith.constant 0 : i32
    return %arg0, %c0_i32 : i32, i32
  }
  func.func @transform_5(%arg0: i32) -> (i32, i32) {
    %c0_i32 = arith.constant 0 : i32
    %c0_i32_0 = arith.constant 0 : i32
    return %arg0, %c0_i32 : i32, i32
  }
  func.func @transform_6(%arg0: i32) -> (i32, i32) {
    %c0_i32 = arith.constant 0 : i32
    %c0_i32_0 = arith.constant 0 : i32
    return %arg0, %c0_i32 : i32, i32
  }
}

module attributes {stable_mosaic.version = 14 : i64} {
  func.func @_h_body(%arg0: i32, %arg1: memref<2000x128xf32, #tpu.memory_space<vmem>>, %arg2: memref<64x64xf32, #tpu.memory_space<vmem>>, %arg3: memref<1x64xf32, #tpu.memory_space<vmem>>, %arg4: memref<2000x128xf32, #tpu.memory_space<vmem>>) attributes {dimension_semantics = [#tpu.dimension_semantics<arbitrary>], iteration_bounds = array<i64: 25>, scalar_prefetch = 0 : i64, scratch_operands = 0 : i64, tpu.core_type = #tpu.core_type<tc>, window_params = [{transform_indices = @transform_0, window_bounds = array<i64: 2000, 128>}, {pipeline_mode = #tpu.pipeline_mode<synchronous>, transform_indices = @transform_1, window_bounds = array<i64: 64, 64>}, {pipeline_mode = #tpu.pipeline_mode<synchronous>, transform_indices = @transform_2, window_bounds = array<i64: 1, 64>}, {transform_indices = @transform_3, window_bounds = array<i64: 2000, 128>}]} {
    %get3A = arith.constant 0 : index
    %get3A_0 = arith.constant 0 : index
    %get3A_1 = vector.load %arg1[%get3A, %get3A_0] : memref<2000x128xf32, #tpu.memory_space<vmem>>, vector<2000x128xf32>
    %slice3A = vector.extract_strided_slice %get3A_1 {offsets = [0, 0], sizes = [2000, 64], strides = [1, 1]} : vector<2000x128xf32> to vector<2000x64xf32>
    %get3A_2 = arith.constant 0 : index
    %get3A_3 = arith.constant 0 : index
    %get3A_4 = vector.load %arg2[%get3A_2, %get3A_3] : memref<64x64xf32, #tpu.memory_space<vmem>>, vector<64x64xf32>
    %dot_general3A = arith.constant dense<0.000000e+00> : vector<2000x64xf32>
    %dot_general3A_5 = tpu.matmul %slice3A, %get3A_4, %dot_general3A {dimension_numbers = #tpu.dot_dimension_numbers<[1], [0], [0], [1], [0, 0, 1, 1], [], []>, transpose_lhs_hint = false} : vector<2000x64xf32>, vector<64x64xf32>, vector<2000x64xf32> -> vector<2000x64xf32>
    %get3A_6 = arith.constant 0 : index
    %get3A_7 = arith.constant 0 : index
    %get3A_8 = vector.load %arg3[%get3A_6, %get3A_7] : memref<1x64xf32, #tpu.memory_space<vmem>>, vector<1x64xf32>
    %add3A = vector.broadcast %get3A_8 : vector<1x64xf32> to vector<2000x64xf32>
    %add3A_9 = arith.addf %dot_general3A_5, %add3A : vector<2000x64xf32>
    %broadcast_in_dim3A = arith.constant 0.000000e+00 : f32
    %broadcast_in_dim3A_10 = vector.broadcast %broadcast_in_dim3A : f32 to vector<2000x64xf32>
    %concatenate3A = tpu.concatenate %add3A_9, %broadcast_in_dim3A_10 in 1 : vector<2000x64xf32>, vector<2000x64xf32> -> vector<2000x128xf32>
    %swap3A = arith.constant 0 : index
    %swap3A_11 = arith.constant 0 : index
    %swap3A_12 = vector.load %arg4[%swap3A, %swap3A_11] : memref<2000x128xf32, #tpu.memory_space<vmem>>, vector<2000x128xf32>
    tpu.vector_store %arg4[%swap3A, %swap3A_11], %concatenate3A {strides = array<i32>} : memref<2000x128xf32, #tpu.memory_space<vmem>>, vector<2000x128xf32>,
    return
  }
  func.func @transform_0(%arg0: i32) -> (i32, i32) {
    %c0_i32 = arith.constant 0 : i32
    %c0_i32_0 = arith.constant 0 : i32
    return %arg0, %c0_i32 : i32, i32
  }
  func.func @transform_1(%arg0: i32) -> (i32, i32) {
    %c0_i32 = arith.constant 0 : i32
    %c0_i32_0 = arith.constant 0 : i32
    %c0_i32_1 = arith.constant 0 : i32
    return %c0_i32, %c0_i32_0 : i32, i32
  }
  func.func @transform_2(%arg0: i32) -> (i32, i32) {
    %c0_i32 = arith.constant 0 : i32
    %c0_i32_0 = arith.constant 0 : i32
    %c0_i32_1 = arith.constant 0 : i32
    return %c0_i32, %c0_i32_0 : i32, i32
  }
  func.func @transform_3(%arg0: i32) -> (i32, i32) {
    %c0_i32 = arith.constant 0 : i32
    %c0_i32_0 = arith.constant 0 : i32
    return %arg0, %c0_i32 : i32, i32
  }
}

module attributes {stable_mosaic.version = 14 : i64} {
  func.func @_seg_body(%arg0: i32, %arg1: memref<1x1x2000xi32, #tpu.memory_space<smem>>, %arg2: memref<2000x64xf32, #tpu.memory_space<vmem>>, %arg3: memref<50000x64xf32, #tpu.memory_space<vmem>>) attributes {dimension_semantics = [#tpu.dimension_semantics<arbitrary>], iteration_bounds = array<i64: 400>, scalar_prefetch = 0 : i64, scratch_operands = 0 : i64, tpu.core_type = #tpu.core_type<tc>, window_params = [{transform_indices = @transform_0, window_bounds = array<i64: 1, 1, 2000>}, {transform_indices = @transform_1, window_bounds = array<i64: 2000, 64>}, {pipeline_mode = #tpu.pipeline_mode<synchronous>, transform_indices = @transform_2, window_bounds = array<i64: 50000, 64>}]} {
    %eq3A = arith.constant 0 : i32
    %eq3A_0 = arith.cmpi eq, %arg0, %eq3A : i32
    %convert_element_type3A = arith.extui %eq3A_0 : i1 to i32
    %cond3A = arith.constant 0 : i32
    %cond3A_1 = arith.cmpi ne, %convert_element_type3A, %cond3A : i32
    scf.if %cond3A_1 {
      %broadcast_in_dim3A = arith.constant 0.000000e+00 : f32
      %broadcast_in_dim3A_6 = vector.broadcast %broadcast_in_dim3A : f32 to vector<50000x64xf32>
      %swap3A = arith.constant 0 : index
      %swap3A_7 = arith.constant 0 : index
      %swap3A_8 = vector.load %arg3[%swap3A, %swap3A_7] : memref<50000x64xf32, #tpu.memory_space<vmem>>, vector<50000x64xf32>
      tpu.vector_store %arg3[%swap3A, %swap3A_7], %broadcast_in_dim3A_6 {strides = array<i32>} : memref<50000x64xf32, #tpu.memory_space<vmem>>, vector<50000x64xf32>,
    } else {
    }
    %scan3A = arith.constant 0 : i32
    %scan3A_2 = arith.constant 2000 : i32
    %scan3A_3 = arith.addi %scan3A, %scan3A_2 : i32
    %scan3A_4 = arith.constant 1 : i32
    scf.for %scan3A_6 = %scan3A to %scan3A_3 step %scan3A_4  : i32 {
      %get3A = arith.constant 0 : index
      %get3A_7 = arith.constant 0 : index
      %get3A_8 = arith.index_cast %scan3A_6 : i32 to index
      %get3A_9 = memref.load %arg1[%get3A, %get3A_7, %get3A_8] : memref<1x1x2000xi32, #tpu.memory_space<smem>>
      %get3A_10 = arith.index_cast %get3A_9 : i32 to index
      %get3A_11 = arith.constant 0 : index
      %get3A_12 = vector.load %arg3[%get3A_10, %get3A_11] : memref<50000x64xf32, #tpu.memory_space<vmem>>, vector<1x64xf32>
      %get3A_13 = arith.index_cast %scan3A_6 : i32 to index
      %get3A_14 = arith.constant 0 : index
      %get3A_15 = vector.load %arg2[%get3A_13, %get3A_14] : memref<2000x64xf32, #tpu.memory_space<vmem>>, vector<1x64xf32>
      %add3A = arith.addf %get3A_12, %get3A_15 : vector<1x64xf32>
      %swap3A = arith.index_cast %get3A_9 : i32 to index
      %swap3A_16 = arith.constant 0 : index
      %swap3A_17 = vector.load %arg3[%swap3A, %swap3A_16] : memref<50000x64xf32, #tpu.memory_space<vmem>>, vector<1x64xf32>
      tpu.vector_store %arg3[%swap3A, %swap3A_16], %add3A {strides = array<i32>} : memref<50000x64xf32, #tpu.memory_space<vmem>>, vector<1x64xf32>,
    }
    %scan3A_5 = arith.constant 2000 : i32
    return
  }
  func.func @transform_0(%arg0: i32) -> (i32, i32, i32) {
    %c0_i32 = arith.constant 0 : i32
    %c0_i32_0 = arith.constant 0 : i32
    %c0_i32_1 = arith.constant 0 : i32
    return %arg0, %c0_i32, %c0_i32_0 : i32, i32, i32
  }
  func.func @transform_1(%arg0: i32) -> (i32, i32) {
    %c0_i32 = arith.constant 0 : i32
    %c0_i32_0 = arith.constant 0 : i32
    return %arg0, %c0_i32 : i32, i32
  }
  func.func @transform_2(%arg0: i32) -> (i32, i32) {
    %c0_i32 = arith.constant 0 : i32
    %c0_i32_0 = arith.constant 0 : i32
    %c0_i32_1 = arith.constant 0 : i32
    return %c0_i32, %c0_i32_0 : i32, i32
  }
}

module attributes {stable_mosaic.version = 14 : i64} {
  func.func @_tail_fused_body(%arg0: i32, %arg1: memref<2000x64xf32, #tpu.memory_space<vmem>>, %arg2: memref<2000x128xf32, #tpu.memory_space<vmem>>, %arg3: memref<64x64xf32, #tpu.memory_space<vmem>>, %arg4: memref<1x64xf32, #tpu.memory_space<vmem>>, %arg5: memref<64x64xf32, #tpu.memory_space<vmem>>, %arg6: memref<1x64xf32, #tpu.memory_space<vmem>>, %arg7: memref<64x64xf32, #tpu.memory_space<vmem>>, %arg8: memref<1x64xf32, #tpu.memory_space<vmem>>, %arg9: memref<2000x128xf32, #tpu.memory_space<vmem>>, %arg10: memref<2000x128xf32, #tpu.memory_space<vmem>>) attributes {dimension_semantics = [#tpu.dimension_semantics<arbitrary>], iteration_bounds = array<i64: 25>, scalar_prefetch = 0 : i64, scratch_operands = 0 : i64, tpu.core_type = #tpu.core_type<tc>, window_params = [{transform_indices = @transform_0, window_bounds = array<i64: 2000, 64>}, {transform_indices = @transform_1, window_bounds = array<i64: 2000, 128>}, {pipeline_mode = #tpu.pipeline_mode<synchronous>, transform_indices = @transform_2, window_bounds = array<i64: 64, 64>}, {pipeline_mode = #tpu.pipeline_mode<synchronous>, transform_indices = @transform_3, window_bounds = array<i64: 1, 64>}, {pipeline_mode = #tpu.pipeline_mode<synchronous>, transform_indices = @transform_4, window_bounds = array<i64: 64, 64>}, {pipeline_mode = #tpu.pipeline_mode<synchronous>, transform_indices = @transform_5, window_bounds = array<i64: 1, 64>}, {pipeline_mode = #tpu.pipeline_mode<synchronous>, transform_indices = @transform_6, window_bounds = array<i64: 64, 64>}, {pipeline_mode = #tpu.pipeline_mode<synchronous>, transform_indices = @transform_7, window_bounds = array<i64: 1, 64>}, {transform_indices = @transform_8, window_bounds = array<i64: 2000, 128>}, {transform_indices = @transform_9, window_bounds = array<i64: 2000, 128>}]} {
    %get3A = arith.constant 0 : index
    %get3A_0 = arith.constant 0 : index
    %get3A_1 = vector.load %arg1[%get3A, %get3A_0] : memref<2000x64xf32, #tpu.memory_space<vmem>>, vector<2000x64xf32>
    %get3A_2 = arith.constant 0 : index
    %get3A_3 = arith.constant 0 : index
    %get3A_4 = vector.load %arg3[%get3A_2, %get3A_3] : memref<64x64xf32, #tpu.memory_space<vmem>>, vector<64x64xf32>
    %dot_general3A = arith.constant dense<0.000000e+00> : vector<2000x64xf32>
    %dot_general3A_5 = tpu.matmul %get3A_1, %get3A_4, %dot_general3A {dimension_numbers = #tpu.dot_dimension_numbers<[1], [0], [0], [1], [0, 0, 1, 1], [], []>, transpose_lhs_hint = false} : vector<2000x64xf32>, vector<64x64xf32>, vector<2000x64xf32> -> vector<2000x64xf32>
    %get3A_6 = arith.constant 0 : index
    %get3A_7 = arith.constant 0 : index
    %get3A_8 = vector.load %arg4[%get3A_6, %get3A_7] : memref<1x64xf32, #tpu.memory_space<vmem>>, vector<1x64xf32>
    %add3A = vector.broadcast %get3A_8 : vector<1x64xf32> to vector<2000x64xf32>
    %add3A_9 = arith.addf %dot_general3A_5, %add3A : vector<2000x64xf32>
    %max3A = arith.constant 0.000000e+00 : f32
    %max3A_10 = vector.broadcast %max3A : f32 to vector<2000x64xf32>
    %max3A_11 = arith.maximumf %add3A_9, %max3A_10 : vector<2000x64xf32>
    %abs3A = math.absf %add3A_9 : vector<2000x64xf32>
    %neg3A = arith.constant 0.000000e+00 : f32
    %neg3A_12 = vector.broadcast %neg3A : f32 to vector<2000x64xf32>
    %neg3A_13 = arith.subf %neg3A_12, %abs3A : vector<2000x64xf32>
    %exp3A = math.exp %neg3A_13 : vector<2000x64xf32>
    %log1p3A = math.log1p %exp3A : vector<2000x64xf32>
    %add3A_14 = arith.addf %max3A_11, %log1p3A : vector<2000x64xf32>
    %sub3A = arith.constant 0.693147182 : f32
    %sub3A_15 = vector.broadcast %sub3A : f32 to vector<2000x64xf32>
    %sub3A_16 = arith.subf %add3A_14, %sub3A_15 : vector<2000x64xf32>
    %get3A_17 = arith.constant 0 : index
    %get3A_18 = arith.constant 0 : index
    %get3A_19 = vector.load %arg2[%get3A_17, %get3A_18] : memref<2000x128xf32, #tpu.memory_space<vmem>>, vector<2000x128xf32>
    %slice3A = vector.extract_strided_slice %get3A_19 {offsets = [0, 0], sizes = [2000, 64], strides = [1, 1]} : vector<2000x128xf32> to vector<2000x64xf32>
    %get3A_20 = arith.constant 0 : index
    %get3A_21 = arith.constant 0 : index
    %get3A_22 = vector.load %arg5[%get3A_20, %get3A_21] : memref<64x64xf32, #tpu.memory_space<vmem>>, vector<64x64xf32>
    %dot_general3A_23 = arith.constant dense<0.000000e+00> : vector<2000x64xf32>
    %dot_general3A_24 = tpu.matmul %sub3A_16, %get3A_22, %dot_general3A_23 {dimension_numbers = #tpu.dot_dimension_numbers<[1], [0], [0], [1], [0, 0, 1, 1], [], []>, transpose_lhs_hint = false} : vector<2000x64xf32>, vector<64x64xf32>, vector<2000x64xf32> -> vector<2000x64xf32>
    %add3A_25 = arith.addf %slice3A, %dot_general3A_24 : vector<2000x64xf32>
    %get3A_26 = arith.constant 0 : index
    %get3A_27 = arith.constant 0 : index
    %get3A_28 = vector.load %arg6[%get3A_26, %get3A_27] : memref<1x64xf32, #tpu.memory_space<vmem>>, vector<1x64xf32>
    %add3A_29 = vector.broadcast %get3A_28 : vector<1x64xf32> to vector<2000x64xf32>
    %add3A_30 = arith.addf %add3A_25, %add3A_29 : vector<2000x64xf32>
    %broadcast_in_dim3A = arith.constant 0.000000e+00 : f32
    %broadcast_in_dim3A_31 = vector.broadcast %broadcast_in_dim3A : f32 to vector<2000x64xf32>
    %concatenate3A = tpu.concatenate %add3A_30, %broadcast_in_dim3A_31 in 1 : vector<2000x64xf32>, vector<2000x64xf32> -> vector<2000x128xf32>
    %swap3A = arith.constant 0 : index
    %swap3A_32 = arith.constant 0 : index
    %swap3A_33 = vector.load %arg9[%swap3A, %swap3A_32] : memref<2000x128xf32, #tpu.memory_space<vmem>>, vector<2000x128xf32>
    tpu.vector_store %arg9[%swap3A, %swap3A_32], %concatenate3A {strides = array<i32>} : memref<2000x128xf32, #tpu.memory_space<vmem>>, vector<2000x128xf32>,
    %get3A_34 = arith.constant 0 : index
    %get3A_35 = arith.constant 0 : index
    %get3A_36 = vector.load %arg7[%get3A_34, %get3A_35] : memref<64x64xf32, #tpu.memory_space<vmem>>, vector<64x64xf32>
    %dot_general3A_37 = arith.constant dense<0.000000e+00> : vector<2000x64xf32>
    %dot_general3A_38 = tpu.matmul %add3A_30, %get3A_36, %dot_general3A_37 {dimension_numbers = #tpu.dot_dimension_numbers<[1], [0], [0], [1], [0, 0, 1, 1], [], []>, transpose_lhs_hint = false} : vector<2000x64xf32>, vector<64x64xf32>, vector<2000x64xf32> -> vector<2000x64xf32>
    %get3A_39 = arith.constant 0 : index
    %get3A_40 = arith.constant 0 : index
    %get3A_41 = vector.load %arg8[%get3A_39, %get3A_40] : memref<1x64xf32, #tpu.memory_space<vmem>>, vector<1x64xf32>
    %add3A_42 = vector.broadcast %get3A_41 : vector<1x64xf32> to vector<2000x64xf32>
    %add3A_43 = arith.addf %dot_general3A_38, %add3A_42 : vector<2000x64xf32>
    %broadcast_in_dim3A_44 = arith.constant 0.000000e+00 : f32
    %broadcast_in_dim3A_45 = vector.broadcast %broadcast_in_dim3A_44 : f32 to vector<2000x64xf32>
    %concatenate3A_46 = tpu.concatenate %add3A_43, %broadcast_in_dim3A_45 in 1 : vector<2000x64xf32>, vector<2000x64xf32> -> vector<2000x128xf32>
    %swap3A_47 = arith.constant 0 : index
    %swap3A_48 = arith.constant 0 : index
    %swap3A_49 = vector.load %arg10[%swap3A_47, %swap3A_48] : memref<2000x128xf32, #tpu.memory_space<vmem>>, vector<2000x128xf32>
    tpu.vector_store %arg10[%swap3A_47, %swap3A_48], %concatenate3A_46 {strides = array<i32>} : memref<2000x128xf32, #tpu.memory_space<vmem>>, vector<2000x128xf32>,
    return
  }
  func.func @transform_0(%arg0: i32) -> (i32, i32) {
    %c0_i32 = arith.constant 0 : i32
    %c0_i32_0 = arith.constant 0 : i32
    return %arg0, %c0_i32 : i32, i32
  }
  func.func @transform_1(%arg0: i32) -> (i32, i32) {
    %c0_i32 = arith.constant 0 : i32
    %c0_i32_0 = arith.constant 0 : i32
    return %arg0, %c0_i32 : i32, i32
  }
  func.func @transform_2(%arg0: i32) -> (i32, i32) {
    %c0_i32 = arith.constant 0 : i32
    %c0_i32_0 = arith.constant 0 : i32
    %c0_i32_1 = arith.constant 0 : i32
    return %c0_i32, %c0_i32_0 : i32, i32
  }
  func.func @transform_3(%arg0: i32) -> (i32, i32) {
    %c0_i32 = arith.constant 0 : i32
    %c0_i32_0 = arith.constant 0 : i32
    %c0_i32_1 = arith.constant 0 : i32
    return %c0_i32, %c0_i32_0 : i32, i32
  }
  func.func @transform_4(%arg0: i32) -> (i32, i32) {
    %c0_i32 = arith.constant 0 : i32
    %c0_i32_0 = arith.constant 0 : i32
    %c0_i32_1 = arith.constant 0 : i32
    return %c0_i32, %c0_i32_0 : i32, i32
  }
  func.func @transform_5(%arg0: i32) -> (i32, i32) {
    %c0_i32 = arith.constant 0 : i32
    %c0_i32_0 = arith.constant 0 : i32
    %c0_i32_1 = arith.constant 0 : i32
    return %c0_i32, %c0_i32_0 : i32, i32
  }
  func.func @transform_6(%arg0: i32) -> (i32, i32) {
    %c0_i32 = arith.constant 0 : i32
    %c0_i32_0 = arith.constant 0 : i32
    %c0_i32_1 = arith.constant 0 : i32
    return %c0_i32, %c0_i32_0 : i32, i32
  }
  func.func @transform_7(%arg0: i32) -> (i32, i32) {
    %c0_i32 = arith.constant 0 : i32
    %c0_i32_0 = arith.constant 0 : i32
    %c0_i32_1 = arith.constant 0 : i32
    return %c0_i32, %c0_i32_0 : i32, i32
  }
  func.func @transform_8(%arg0: i32) -> (i32, i32) {
    %c0_i32 = arith.constant 0 : i32
    %c0_i32_0 = arith.constant 0 : i32
    return %arg0, %c0_i32 : i32, i32
  }
  func.func @transform_9(%arg0: i32) -> (i32, i32) {
    %c0_i32 = arith.constant 0 : i32
    %c0_i32_0 = arith.constant 0 : i32
    return %arg0, %c0_i32 : i32, i32
  }
}

module attributes {stable_mosaic.version = 14 : i64} {
  func.func @_tail_final_body(%arg0: i32, %arg1: memref<2000x64xf32, #tpu.memory_space<vmem>>, %arg2: memref<2000x128xf32, #tpu.memory_space<vmem>>, %arg3: memref<64x64xf32, #tpu.memory_space<vmem>>, %arg4: memref<1x64xf32, #tpu.memory_space<vmem>>, %arg5: memref<64x64xf32, #tpu.memory_space<vmem>>, %arg6: memref<1x64xf32, #tpu.memory_space<vmem>>, %arg7: memref<2000x64xf32, #tpu.memory_space<vmem>>) attributes {dimension_semantics = [#tpu.dimension_semantics<arbitrary>], iteration_bounds = array<i64: 25>, scalar_prefetch = 0 : i64, scratch_operands = 0 : i64, tpu.core_type = #tpu.core_type<tc>, window_params = [{transform_indices = @transform_0, window_bounds = array<i64: 2000, 64>}, {transform_indices = @transform_1, window_bounds = array<i64: 2000, 128>}, {pipeline_mode = #tpu.pipeline_mode<synchronous>, transform_indices = @transform_2, window_bounds = array<i64: 64, 64>}, {pipeline_mode = #tpu.pipeline_mode<synchronous>, transform_indices = @transform_3, window_bounds = array<i64: 1, 64>}, {pipeline_mode = #tpu.pipeline_mode<synchronous>, transform_indices = @transform_4, window_bounds = array<i64: 64, 64>}, {pipeline_mode = #tpu.pipeline_mode<synchronous>, transform_indices = @transform_5, window_bounds = array<i64: 1, 64>}, {transform_indices = @transform_6, window_bounds = array<i64: 2000, 64>}]} {
    %get3A = arith.constant 0 : index
    %get3A_0 = arith.constant 0 : index
    %get3A_1 = vector.load %arg1[%get3A, %get3A_0] : memref<2000x64xf32, #tpu.memory_space<vmem>>, vector<2000x64xf32>
    %get3A_2 = arith.constant 0 : index
    %get3A_3 = arith.constant 0 : index
    %get3A_4 = vector.load %arg3[%get3A_2, %get3A_3] : memref<64x64xf32, #tpu.memory_space<vmem>>, vector<64x64xf32>
    %dot_general3A = arith.constant dense<0.000000e+00> : vector<2000x64xf32>
    %dot_general3A_5 = tpu.matmul %get3A_1, %get3A_4, %dot_general3A {dimension_numbers = #tpu.dot_dimension_numbers<[1], [0], [0], [1], [0, 0, 1, 1], [], []>, transpose_lhs_hint = false} : vector<2000x64xf32>, vector<64x64xf32>, vector<2000x64xf32> -> vector<2000x64xf32>
    %get3A_6 = arith.constant 0 : index
    %get3A_7 = arith.constant 0 : index
    %get3A_8 = vector.load %arg4[%get3A_6, %get3A_7] : memref<1x64xf32, #tpu.memory_space<vmem>>, vector<1x64xf32>
    %add3A = vector.broadcast %get3A_8 : vector<1x64xf32> to vector<2000x64xf32>
    %add3A_9 = arith.addf %dot_general3A_5, %add3A : vector<2000x64xf32>
    %max3A = arith.constant 0.000000e+00 : f32
    %max3A_10 = vector.broadcast %max3A : f32 to vector<2000x64xf32>
    %max3A_11 = arith.maximumf %add3A_9, %max3A_10 : vector<2000x64xf32>
    %abs3A = math.absf %add3A_9 : vector<2000x64xf32>
    %neg3A = arith.constant 0.000000e+00 : f32
    %neg3A_12 = vector.broadcast %neg3A : f32 to vector<2000x64xf32>
    %neg3A_13 = arith.subf %neg3A_12, %abs3A : vector<2000x64xf32>
    %exp3A = math.exp %neg3A_13 : vector<2000x64xf32>
    %log1p3A = math.log1p %exp3A : vector<2000x64xf32>
    %add3A_14 = arith.addf %max3A_11, %log1p3A : vector<2000x64xf32>
    %sub3A = arith.constant 0.693147182 : f32
    %sub3A_15 = vector.broadcast %sub3A : f32 to vector<2000x64xf32>
    %sub3A_16 = arith.subf %add3A_14, %sub3A_15 : vector<2000x64xf32>
    %get3A_17 = arith.constant 0 : index
    %get3A_18 = arith.constant 0 : index
    %get3A_19 = vector.load %arg2[%get3A_17, %get3A_18] : memref<2000x128xf32, #tpu.memory_space<vmem>>, vector<2000x128xf32>
    %slice3A = vector.extract_strided_slice %get3A_19 {offsets = [0, 0], sizes = [2000, 64], strides = [1, 1]} : vector<2000x128xf32> to vector<2000x64xf32>
    %get3A_20 = arith.constant 0 : index
    %get3A_21 = arith.constant 0 : index
    %get3A_22 = vector.load %arg5[%get3A_20, %get3A_21] : memref<64x64xf32, #tpu.memory_space<vmem>>, vector<64x64xf32>
    %dot_general3A_23 = arith.constant dense<0.000000e+00> : vector<2000x64xf32>
    %dot_general3A_24 = tpu.matmul %sub3A_16, %get3A_22, %dot_general3A_23 {dimension_numbers = #tpu.dot_dimension_numbers<[1], [0], [0], [1], [0, 0, 1, 1], [], []>, transpose_lhs_hint = false} : vector<2000x64xf32>, vector<64x64xf32>, vector<2000x64xf32> -> vector<2000x64xf32>
    %add3A_25 = arith.addf %slice3A, %dot_general3A_24 : vector<2000x64xf32>
    %get3A_26 = arith.constant 0 : index
    %get3A_27 = arith.constant 0 : index
    %get3A_28 = vector.load %arg6[%get3A_26, %get3A_27] : memref<1x64xf32, #tpu.memory_space<vmem>>, vector<1x64xf32>
    %add3A_29 = vector.broadcast %get3A_28 : vector<1x64xf32> to vector<2000x64xf32>
    %add3A_30 = arith.addf %add3A_25, %add3A_29 : vector<2000x64xf32>
    %swap3A = arith.constant 0 : index
    %swap3A_31 = arith.constant 0 : index
    %swap3A_32 = vector.load %arg7[%swap3A, %swap3A_31] : memref<2000x64xf32, #tpu.memory_space<vmem>>, vector<2000x64xf32>
    tpu.vector_store %arg7[%swap3A, %swap3A_31], %add3A_30 {strides = array<i32>} : memref<2000x64xf32, #tpu.memory_space<vmem>>, vector<2000x64xf32>,
    return
  }
  func.func @transform_0(%arg0: i32) -> (i32, i32) {
    %c0_i32 = arith.constant 0 : i32
    %c0_i32_0 = arith.constant 0 : i32
    return %arg0, %c0_i32 : i32, i32
  }
  func.func @transform_1(%arg0: i32) -> (i32, i32) {
    %c0_i32 = arith.constant 0 : i32
    %c0_i32_0 = arith.constant 0 : i32
    return %arg0, %c0_i32 : i32, i32
  }
  func.func @transform_2(%arg0: i32) -> (i32, i32) {
    %c0_i32 = arith.constant 0 : i32
    %c0_i32_0 = arith.constant 0 : i32
    %c0_i32_1 = arith.constant 0 : i32
    return %c0_i32, %c0_i32_0 : i32, i32
  }
  func.func @transform_3(%arg0: i32) -> (i32, i32) {
    %c0_i32 = arith.constant 0 : i32
    %c0_i32_0 = arith.constant 0 : i32
    %c0_i32_1 = arith.constant 0 : i32
    return %c0_i32, %c0_i32_0 : i32, i32
  }
  func.func @transform_4(%arg0: i32) -> (i32, i32) {
    %c0_i32 = arith.constant 0 : i32
    %c0_i32_0 = arith.constant 0 : i32
    %c0_i32_1 = arith.constant 0 : i32
    return %c0_i32, %c0_i32_0 : i32, i32
  }
  func.func @transform_5(%arg0: i32) -> (i32, i32) {
    %c0_i32 = arith.constant 0 : i32
    %c0_i32_0 = arith.constant 0 : i32
    %c0_i32_1 = arith.constant 0 : i32
    return %c0_i32, %c0_i32_0 : i32, i32
  }
  func.func @transform_6(%arg0: i32) -> (i32, i32) {
    %c0_i32 = arith.constant 0 : i32
    %c0_i32_0 = arith.constant 0 : i32
    return %arg0, %c0_i32 : i32, i32
  }
}

</mosaic_0001>

<sc_bundles>
// kernel: kernel.14.cloned.1.call-start
scs
__scs_entry_jumppad:
0x0: {  	(pc) =	sbr.rel $0x88, $3  }
0x1: {  	(tag) =	ssettag $0x0;
	lr =	simm.s32 $0x1  }
0x2: {  	[smem:$0x3F95] =	sst lr;
	_ =	strace $0xD0000000  }
0x3: {  	_ = 	snop  }
0x4: {  	_ = 	snop  }
0x5: {  	_ = 	snop  }
0x6: {  	_ = 	snop  }
0x7: {  	_ = 	snop  }
__scs_overlays_trampoline_lowered:
0x8: {  	[smem:$0x3FA4] =	sst s0  }
0x9: {  	[smem:$0x3FA5] =	sst s1  }
0xa: {  	[smem:$0x3FA6] =	sst s2  }
0xb: {  	[smem:$0x3FA7] =	sst s3  }
0xc: {  	[smem:$0x3FA8] =	sst s4  }
0xd: {  	[smem:$0x3FA9] =	sst s5  }
0xe: {  	[smem:$0x3FAA] =	sst s6  }
0xf: {  	[smem:$0x3FAB] =	sst s7  }
0x10: {  	[smem:$0x3FAC] =	sst s8  }
0x11: {  	[smem:$0x3FAD] =	sst s9;
	s0 =	simm.s32 @!p0 $0x0  }
0x12: {  	s1 =	sld [smem:$0x3F93];
	s0 =	simm.s32 @p0 $0x1  }
0x13: {  	[smem:$0x3FAE] =	sst s0;
	s0 =	simm.s32 @!p1 $0x0  }
0x14: {  	s2 =	sld [smem:$0x3F92];
	s0 =	simm.s32 @p1 $0x1  }
0x15: {  	[smem:$0x3FAF] =	sst s0;
	s0 =	simm.s32 @!p2 $0x0  }
0x16: {  	s3 =	sld [smem:$0x3FDB];
	s0 =	simm.s32 @p2 $0x1  }
0x17: {  	s4 =	simm.s32 $0x1BF5;
	[smem:$0x3FB1] =	sst s0  }
0x18: {  	s0 =	sld [smem:$0x3F94];
	_ =	swait.ge [sflag:s4], $0x0  }
0x19: {  	s7 =	sld [smem:$0x3F95]  }
0x1a: {  	s8 =	sadd.s32 $0xFFFFE003, lr  }
0x1b: {  	s9 =	sadd.s32 $0xFFFFFEF7, lr;
	s5 =	simm.s32 $0xFFFFFFFF;
	p2 =	slt.u32 s8, $0xFFFFF086  }
0x1c: {  	p1 =	slt.u32 s9, $0xF7A;
	s5 =	simm.s32 @!p2 $0x0  }
0x1d: {  	s5 =	simm.s32 @p1 $0x1;
	p0 =	seq.s32 s7, s2  }
0x1e: {  	s7 =	smul.u32 @!p0 $0xF7A, s2;
	p2 =	seq.s32 @!p0 s5, $0x0  }
0x1f: {  	s9 =	smul.u32 $0xF7A, s1;
	s8 =	simm.s32 @!p0 $0x1BF5;
	p2 =	por !p2, p0  }
0x20: {  	[sflag:s8] =	ssyncset.s32 @!p0 $0xFFFFF086;
	s6 =	sadd.s32 @!p0 s3, s7;
	s7 =	simm.s32 @!p0 $0x108  }
0x21: {  	s3 =	sadd.s32 s3, s9;
	s6 =	sadd.s32 @!p0 $0x88, s6;
	s7 =	simm.s32 @p2 $0x1082  }
0x22: {  	[simem:s7], [sflag:s8] =	dma.local @!p0 [hbm:s6], $0xF7A  }
0x23: {  	s9 =	sor.u32 $0xD0000000, s2;
	s6 =	simm.s32 $0x108;
	_ =	swait.ge @!p0 [sflag:s8], $0x0  }
0x24: {  	s3 =	sadd.s32 $0x88, s3;
	s6 =	simm.s32 @!p1 $0x1082;
	[sflag:s4] =	ssyncset.s32 $0xFFFFF086  }
0x25: {  	[simem:s6], [sflag:s4] =	dma.local [hbm:s3], $0xF7A  }
0x26: {  	[smem:$0x3F95] =	sst s1;
	(tag) =	ssettag s2;
	_ =	strace s9  }
0x27: {  	s1 =	sld [smem:$0x3FA5]  }
0x28: {  	s2 =	sld [smem:$0x3FA6]  }
0x29: {  	s4 =	sld [smem:$0x3FA8]  }
0x2a: {  	p0 =	seq.s32 s5, $0x0;
	s5 =	sld [smem:$0x3FA9]  }
0x2b: {  	s6 =	sld [smem:$0x3FAA]  }
0x2c: {  	s7 =	sld [smem:$0x3FAB]  }
0x2d: {  	s3 =	simm.s32 $0x108;
	s8 =	sld [smem:$0x3FAC]  }
0x2e: {  	s3 =	simm.s32 @!p0 $0x1082;
	s9 =	sld [smem:$0x3FAD]  }
0x2f: {  	lr =	sadd.s32 s0, s3;
	s0 =	sld [smem:$0x3FA4]  }
0x30: {  	s3 =	sld [smem:$0x3FA7]  }
0x31: {  	[smem:$0x3FB0] =	sst s10  }
0x32: {  	s10 =	sld [smem:$0x3FAE];
	_ =	sdelay $0x3  }
0x33: {  	p0 =	seq.s32 s10, $0x1;
	s10 =	sld [smem:$0x3FB0];
	_ =	sdelay $0x3  }
0x34: {  	[smem:$0x3FB0] =	sst s10  }
0x35: {  	s10 =	sld [smem:$0x3FAF];
	_ =	sdelay $0x3  }
0x36: {  	p1 =	seq.s32 s10, $0x1;
	s10 =	sld [smem:$0x3FB0];
	_ =	sdelay $0x3  }
0x37: {  	[smem:$0x3FB0] =	sst s10  }
0x38: {  	s10 =	sld [smem:$0x3FB1]  }
0x39: {  	_ = 	snop;
	(pc) =	sbr.ind lr, $3  }
0x3a: {  	_ = 	snop  }
0x3b: {  	_ = 	snop  }
0x3c: {  	p2 =	seq.s32 s10, $0x1;
	s10 =	sld [smem:$0x3FB0]  }
0x3d: {  	_ =	shalt  }
0x3e: {  	_ =	shalt  }
0x3f: {  	_ =	shalt  }
0x40: {  	_ =	shalt  }
0x41: {  	_ =	shalt  }
0x42: {  	_ =	shalt  }
0x43: {  	_ =	shalt  }
0x44: {  	_ =	shalt  }
0x45: {  	_ =	shalt  }
0x46: {  	_ =	shalt  }
0x47: {  	_ =	shalt  }
0x48: {  	_ =	shalt  }
0x49: {  	_ =	shalt  }
0x4a: {  	_ =	shalt  }
0x4b: {  	_ =	shalt  }
0x4c: {  	_ =	shalt  }
0x4d: {  	_ =	shalt  }
0x4e: {  	_ =	shalt  }
0x4f: {  	_ =	shalt  }
0x50: {  	_ =	shalt  }
0x51: {  	_ =	shalt  }
0x52: {  	_ =	shalt  }
0x53: {  	_ =	shalt  }
0x54: {  	_ =	shalt  }
0x55: {  	_ =	shalt  }
0x56: {  	_ =	shalt  }
0x57: {  	_ =	shalt  }
0x58: {  	_ =	shalt  }
0x59: {  	_ =	shalt  }
0x5a: {  	_ =	shalt  }
0x5b: {  	_ =	shalt  }
0x5c: {  	_ =	shalt  }
0x5d: {  	_ =	shalt  }
0x5e: {  	_ =	shalt  }
0x5f: {  	_ =	shalt  }
0x60: {  	_ =	shalt  }
0x61: {  	_ =	shalt  }
0x62: {  	_ =	shalt  }
0x63: {  	_ =	shalt  }
0x64: {  	_ =	shalt  }
0x65: {  	_ =	shalt  }
0x66: {  	_ =	shalt  }
0x67: {  	_ =	shalt  }
0x68: {  	_ =	shalt  }
0x69: {  	_ =	shalt  }
0x6a: {  	_ =	shalt  }
0x6b: {  	_ =	shalt  }
0x6c: {  	_ =	shalt  }
0x6d: {  	_ =	shalt  }
0x6e: {  	_ =	shalt  }
0x6f: {  	_ =	shalt  }
0x70: {  	_ =	shalt  }
0x71: {  	_ =	shalt  }
0x72: {  	_ =	shalt  }
0x73: {  	_ =	shalt  }
0x74: {  	_ =	shalt  }
0x75: {  	_ =	shalt  }
0x76: {  	_ =	shalt  }
0x77: {  	_ =	shalt  }
0x78: {  	_ =	shalt  }
0x79: {  	_ =	shalt  }
0x7a: {  	_ =	shalt  }
0x7b: {  	_ =	shalt  }
0x7c: {  	_ =	shalt  }
0x7d: {  	_ =	shalt  }
0x7e: {  	_ =	shalt  }
0x7f: {  	_ =	shalt  }
0x80: {  	_ =	shalt  }
0x81: {  	_ =	shalt  }
0x82: {  	_ =	shalt  }
0x83: {  	_ =	shalt  }
0x84: {  	_ =	shalt  }
0x85: {  	_ =	shalt  }
0x86: {  	_ =	shalt  }
0x87: {  	_ =	shalt  }
.Lfunc_end0:
.L_simem_size_0:
called_computation_lowered:
.L_overlay_start_0:
0x88: {  	s2 =	sld [smem:$0x3FD9]  }
0x89: {  	s3 =	sld [smem:$0x3FFE];
	_ =	sdelay $0x1  }
0x8a: {  	s1 =	srdreg.scid  }
0x8b: {  	s0 =	sand.u32 $0x1, s1  }
0x8c: {  	s17 =	sshll.u32 s0, $0xA;
	s2 =	sadd.s32 s3, s2  }
0x8d: {  	s2 =	sadd.s32 s2, s17  }
0x8e: {  	[smem:$0x3FBC] =	sst s2  }
0x8f: {  	_ = 	snop  }
0x90: {  	s2 =	sld [smem:$0x3FC9];
	(tm) =	ssettm $0x1  }
0x91: {  	s18 =	sld [smem:$0x3FFB];
	_ =	sdelay $0x3  }
0x92: {  	_ =	strace s18  }
0x93: {  	s3 =	sld [smem:$0x3FFC];
	_ =	sdelay $0x3  }
0x94: {  	_ =	strace s3  }
0x95: {  	s3 =	sld [smem:$0x3FFD];
	_ =	sdelay $0x3  }
0x96: {  	_ =	strace s3  }
0x97: {  	_ =	strace $0x8FFFFFFF  }
0x98: {  	s19 =	sld [smem:$0x3FDB];
	_ =	sdelay $0x1  }
0x99: {  	s4 =	simm.s32 $_scs_section_size  }
0x9a: {  	s5 =	simm.s32 $_size__tile_overlayer_lowered;
	s6 =	simm.s32 $_tile_overlayer_lowered  }
0x9b: {  	s22 =	simm.s32 $0x1BFF;
	s21 =	sshll.u32 s6, $0x1;
	s3 =	sadd.s32 s4, s19  }
0x9c: {  	s7 =	simm.s32 $0x0;
	s20 =	sshll.u32 s5, $0x1;
	s5 =	sadd.s32 s21, s3  }
0x9d: {  	[timem:s7], [sflag:s22] =	dma.local [hbm:s5], s20  }
0x9e: {  	_ =	swait.ge [sflag:s22], s20  }
0x9f: {  	s4 =	ssub.s32 $0x0, s20;
	[sflag:s22] =	ssyncset.done $0x0  }
0xa0: {  	[sflag:s22] =	ssyncadd.s32 s4;
	_ =	sdelay $0x1  }
0xa1: {  	s23 =	simm.s32 $0x1B8B  }
0xa2: {  	_ =	swait.ge [sflag:s23], $0x1  }
0xa3: {  	[sflag:s23] =	ssyncset.done $0x0  }
0xa4: {  	s25 =	simm.s32 $0x1B8E;
	s24 =	sld [smem:$0x3FFE];
	[sflag:s23] =	ssyncadd.s32 $0xFFFFFFFF  }
0xa5: {  	s26 =	simm.s32 $execute0_lowered;
	[smem:$0x3FD2] =	sst s25  }
0xa6: {  	s5 =	sshll.u32 s26, $0x1;
	_ =	strace $0x80000046;
	[dreg:$0x1] =	wrdreg $0xFFFFFFFF  }
0xa7: {  	s28 =	simm.s32 $_size_execute0_lowered;
	s3 =	sadd.s32 s3, s5;
	[dreg:$0x0] =	wrdreg $0x0  }
0xa8: {  	s5 =	sshll.u32 s28, $0x1;
	[dreg:$0x2] =	wrdreg s3  }
0xa9: {  	[dreg:$0x3] =	wrdreg s5  }
0xaa: {  	[dreg:$0x4] =	wrdreg $0xC0  }
0xab: {  	_ =	task [dreg:s7], $0x5FFFF  }
0xac: {  	[dreg:$0x1] =	wrdreg $0xFFFFFFFF  }
0xad: {  	[dreg:$0x0] =	wrdreg $0x60  }
0xae: {  	[dreg:$0x2] =	wrdreg s2  }
0xaf: {  	[dreg:$0x3] =	wrdreg s24  }
0xb0: {  	[dreg:$0x4] =	wrdreg $0x9  }
0xb1: {  	_ =	task.clear_ibuf [dreg:s7], $0x5FFFF;
	_ =	strace $0x90000046  }
0xb2: {  	s29 =	simm.s32 $0x9;
	_ =	strace $0x80000048  }
0xb3: {  	_ =	swait.ge [sflag:s29], $0x1  }
0xb4: {  	[sflag:s29] =	ssyncadd.s32 $0xFFFFFFFF  }
0xb5: {  	_ =	strace $0x90000048  }
0xb6: {  	_ =	sfence  }
0xb7: {  	s30 =	sld [smem:$0x0];
	_ =	sdelay $0x2  }
0xb8: {  	s31 =	sshll.u32 s1, $0xD;
	s1 =	sshrl.u32 s1, $0x2  }
0xb9: {  	s3 =	sand.u32 $0x4000, s31;
	s1 =	sadd.s32 s1, s30  }
0xba: {  	s0 =	sor.u32 s3, s0;
	s1 =	sshll.u32 s1, $0x11  }
0xbb: {  	s0 =	sor.u32 s1, s0  }
0xbc: {  	s0 =	sadd.s32 $0x8F2B, s0  }
0xbd: {  	[sflag:s0] =	ssyncadd.remote.s32 $0x1  }
0xbe: {  	_ =	sfence.sel $0xFFFF  }
0xbf: {  	[dreg:$0x0] =	wrdreg $0xFFFFFFFF;
	(pc) =	sbr.abs _section_cstart, $3  }
0xc0: {  	[dreg:$0x1] =	wrdreg $0xFFFFFFFF  }
0xc1: {  	_ =	task.clear_ibuf [dreg:s7], $0x2FFFF;
	_ =	strace $0x9FFFFFFF  }
0xc2: {  	(tm) =	ssettm $0x7FFFFFFF  }
0xc3: {  	_ =	shalt  }
tec
execute0_lowered:
.L_overlay_start_1:
0x0: {  	(tag) =	ssettag $0x1  }
0x1: {  	s6 =	rddreg [dreg:$0x0]  }
0x2: {  	s4 =	rddreg [dreg:$0x1]  }
0x3: {  	s0 =	rddreg [dreg:$0x2]  }
0x4: {  	s3 =	srdreg.scid;
	s1 =	stileid.u32  }
0x5: {  	s2 =	simm.s32 $0x0;
	s12 =	simm.s32 $0x0;
	s7 =	smul.u32 $0x5000, s1  }
0x6: {  	s5 =	sand.u32 $0x1, s3;
	[smem:$0x7FF] =	sst s2;
	s28 =	smul.u32 $0xA0, s1  }
0x7: {  	s3 =	sadd.s32 $0x4A00, s4;
	s11 =	sshll.u32 s1, $0x1;
	s8 =	smul.u32 $0x2800, s5  }
0x8: {  	_ =	strace $0x80000047;
	s9 =	ssub.s32 $0x2, s5;
	s10 =	smul.u32 $0x50, s5  }
0x9: {  	s30 =	sor.u32 s5, s11;
	s11 =	simm.s32 $0x1;
	s29 =	sshrl.u32 s9, $0x1  }
0xa: {  	p0 =	slt.u32 s30, $0x11;
	s7 =	sadd.s32 s8, s7;
	s9 =	ssub.s32 s9, s29  }
0xb: {  	s31 =	sadd.s32 s10, s28;
	s10 =	simm.s32 $0x80;
	s7 =	sshrl.u32 s7, $0x3  }
0xc: {  	s8 =	sshrl.u32 s31, $0x3;
	s5 =	smax.u32 s9, $0x1;
	s9 =	simm.s32 $0x50  }
0xd: {  	s7 =	sadd.s32 s7, s4;
	s4 =	simm.s32 $0x14;
	s6 =	sadd.s32 s8, s6  }
0xe: {  	s8 =	simm.s32 $0x2;
	s4 =	simm.s32 @!p0 $0x13;
	s7 =	sadd.s32 $0x5200, s7  }
.LBB2_1:
0xf: {  	[tilespmem:s2], [sflag:$0x2] =	stream.linear.gather [hbm4b:s6+s2], $0x50, $0x38;
	[tilespmem:$0x2880] =	vst v63  }
0x10: {  	_ =	swait.ge [sflag:s8], $0x50  }
0x11: {  	[sflag:s8] =	ssyncset.done $0x0  }
0x12: {  	[sflag:s8] =	ssyncadd.s32 $0xFFFFFFB0  }
0x13: {  	[tilespmem:s10], [sflag:$0x1] =	stream.indirect.gather [hbm4b:s3+s9], $0x80, s2, s9, $0xb8;
	[tilespmem:$0x2880] =	vst v63  }
0x14: {  	p0 =	sne.s32 s4, $0x1;
	_ =	swait.ge [sflag:s11], $0x2800  }
.Ltmp0:
0x15: {  	[sflag:s11] =	ssyncset.done $0x0;
	(pc) =	sbr.rel @!p0 .LBB2_3-.Ltmp0, $4  }
0x16: {  	[sflag:s11] =	ssyncadd.s32 $0xFFFFD800  }
0x17: {  	[hbm4b:s7+s2] =	stream.linear.scatter [tilespmem:s10], [sflag:$0x2], $0x2800, $0x38;
	[tilespmem:$0x2880] =	vst v63  }
0x18: {  	s13 =	sadd.s32 $0xFFFFFFFF, s4;
	_ =	swait.ge [sflag:s8], $0x2800  }
0x19: {  	s14 =	smov.u32 s6;
	s15 =	smov.u32 s7;
	[sflag:s8] =	ssyncset.done $0x0  }
.LBB2_2:
0x1a: {  	[sflag:s8] =	ssyncadd.s32 $0xFFFFD800;
	s14 =	sadd.s32 $0x140, s14;
	s15 =	sadd.s32 $0xA000, s15  }
0x1b: {  	[tilespmem:s2], [sflag:$0x2] =	stream.linear.gather [hbm4b:s14+s2], $0x50, $0x38;
	[tilespmem:$0x2880] =	vst v63  }
0x1c: {  	p0 =	sne.s32 s13, $0x1;
	s13 =	sadd.s32 $0xFFFFFFFF, s13;
	_ =	swait.ge [sflag:s8], $0x50  }
0x1d: {  	[sflag:s8] =	ssyncset.done $0x0  }
0x1e: {  	[sflag:s8] =	ssyncadd.s32 $0xFFFFFFB0  }
0x1f: {  	[tilespmem:s10], [sflag:$0x1] =	stream.indirect.gather [hbm4b:s3+s9], $0x80, s2, s9, $0xb8;
	[tilespmem:$0x2880] =	vst v63  }
0x20: {  	_ =	swait.ge [sflag:s11], $0x2800  }
.Ltmp1:
0x21: {  	[sflag:s11] =	ssyncset.done $0x0;
	(pc) =	sbr.rel @p0 .LBB2_2-.Ltmp1, $4  }
0x22: {  	[sflag:s11] =	ssyncadd.s32 $0xFFFFD800  }
0x23: {  	[hbm4b:s15+s2] =	stream.linear.scatter [tilespmem:s10], [sflag:$0x2], $0x2800, $0x38;
	[tilespmem:$0x2880] =	vst v63  }
0x24: {  	_ =	swait.ge [sflag:s8], $0x2800  }
0x25: {  	[sflag:s8] =	ssyncset.done $0x0  }
.LBB2_3:
0x26: {  	s12 =	sadd.s32 $0x1, s12  }
0x27: {  	p0 =	sne.s32 s12, s5  }
.Ltmp2:
0x28: {  	_ = 	snop;
	(pc) =	sbr.rel @p0 .LBB2_1-.Ltmp2, $2  }
0x29: {  	_ =	sdelay $0x2  }
0x2a: {  	[sflag:s8] =	ssyncadd.s32 $0xFFFFD800  }
0x2b: {  	_ =	sfence.sel $0x180000  }
0x2c: {  	[bflag:$0x0] =	sbarrier.arrive $0xFFFF  }
0x2d: {  	p0 =	sne.s32 s1, $0x0;
	_ =	strace $0x90000047  }
0x2e: {  	s0 =	sadd.s32 @!p0 $0x100000, s0;
	[bflag:$0x2] =	sbarrier.arrive $0xFFFF  }
0x2f: {  	[sflag:s0] =	ssyncadd.tile.s32 @!p0 $0x1;
	_ =	shalt  }
.Lfunc_end2:
_tile_overlayer_lowered:
.L_overlay_start_2:
0x30: {  	(tag) =	ssettag $0x2  }
0x31: {  	s0 =	rddreg [dreg:$0x0];
	s2 =	stileid.u32  }
0x32: {  	s1 =	rddreg [dreg:$0x1];
	p0 =	sne.s32 s2, $0x0  }
0x33: {  	s3 =	rddreg [dreg:$0x2];
	[bflag:$0x3] =	sbarrier.arrive $0xFFFF;
	s2 =	simm.s32 @!p0 $0x1C02  }
0x34: {  	[timem:s3], [sflag:s2] =	dma.local @!p0 [hbm:s0], s1  }
0x35: {  	s0 =	simm.s32 @!p0 $0x2  }
0x36: {  	_ =	swait.ge @!p0 [sflag:s0], s1  }
0x37: {  	s1 =	ssub.s32 @!p0 $0x0, s1;
	[sflag:s0] =	ssyncset.done @!p0 $0x0  }
0x38: {  	[sflag:s0] =	ssyncadd.s32 @!p0 s1  }
0x39: {  	[bflag:$0x3] =	sbarrier.arrive $0xFFFF  }
0x3a: {  	_ =	shalt  }

// kernel: kernel.17.cloned.1.call-start
scs
__scs_entry_jumppad:
0x0: {  	(pc) =	sbr.rel $0x88, $3  }
0x1: {  	(tag) =	ssettag $0x0;
	lr =	simm.s32 $0x1  }
0x2: {  	[smem:$0x3F95] =	sst lr;
	_ =	strace $0xD0000000  }
0x3: {  	_ = 	snop  }
0x4: {  	_ = 	snop  }
0x5: {  	_ = 	snop  }
0x6: {  	_ = 	snop  }
0x7: {  	_ = 	snop  }
__scs_overlays_trampoline_lowered:
0x8: {  	[smem:$0x3FA4] =	sst s0  }
0x9: {  	[smem:$0x3FA5] =	sst s1  }
0xa: {  	[smem:$0x3FA6] =	sst s2  }
0xb: {  	[smem:$0x3FA7] =	sst s3  }
0xc: {  	[smem:$0x3FA8] =	sst s4  }
0xd: {  	[smem:$0x3FA9] =	sst s5  }
0xe: {  	[smem:$0x3FAA] =	sst s6  }
0xf: {  	[smem:$0x3FAB] =	sst s7  }
0x10: {  	[smem:$0x3FAC] =	sst s8  }
0x11: {  	[smem:$0x3FAD] =	sst s9;
	s0 =	simm.s32 @!p0 $0x0  }
0x12: {  	s1 =	sld [smem:$0x3F93];
	s0 =	simm.s32 @p0 $0x1  }
0x13: {  	[smem:$0x3FAE] =	sst s0;
	s0 =	simm.s32 @!p1 $0x0  }
0x14: {  	s2 =	sld [smem:$0x3F92];
	s0 =	simm.s32 @p1 $0x1  }
0x15: {  	[smem:$0x3FAF] =	sst s0;
	s0 =	simm.s32 @!p2 $0x0  }
0x16: {  	s3 =	sld [smem:$0x3FDB];
	s0 =	simm.s32 @p2 $0x1  }
0x17: {  	s4 =	simm.s32 $0x1BF5;
	[smem:$0x3FB1] =	sst s0  }
0x18: {  	s0 =	sld [smem:$0x3F94];
	_ =	swait.ge [sflag:s4], $0x0  }
0x19: {  	s7 =	sld [smem:$0x3F95]  }
0x1a: {  	s8 =	sadd.s32 $0xFFFFE003, lr  }
0x1b: {  	s9 =	sadd.s32 $0xFFFFFEF7, lr;
	s5 =	simm.s32 $0xFFFFFFFF;
	p2 =	slt.u32 s8, $0xFFFFF086  }
0x1c: {  	p1 =	slt.u32 s9, $0xF7A;
	s5 =	simm.s32 @!p2 $0x0  }
0x1d: {  	s5 =	simm.s32 @p1 $0x1;
	p0 =	seq.s32 s7, s2  }
0x1e: {  	s7 =	smul.u32 @!p0 $0xF7A, s2;
	p2 =	seq.s32 @!p0 s5, $0x0  }
0x1f: {  	s9 =	smul.u32 $0xF7A, s1;
	s8 =	simm.s32 @!p0 $0x1BF5;
	p2 =	por !p2, p0  }
0x20: {  	[sflag:s8] =	ssyncset.s32 @!p0 $0xFFFFF086;
	s6 =	sadd.s32 @!p0 s3, s7;
	s7 =	simm.s32 @!p0 $0x108  }
0x21: {  	s3 =	sadd.s32 s3, s9;
	s6 =	sadd.s32 @!p0 $0x88, s6;
	s7 =	simm.s32 @p2 $0x1082  }
0x22: {  	[simem:s7], [sflag:s8] =	dma.local @!p0 [hbm:s6], $0xF7A  }
0x23: {  	s9 =	sor.u32 $0xD0000000, s2;
	s6 =	simm.s32 $0x108;
	_ =	swait.ge @!p0 [sflag:s8], $0x0  }
0x24: {  	s3 =	sadd.s32 $0x88, s3;
	s6 =	simm.s32 @!p1 $0x1082;
	[sflag:s4] =	ssyncset.s32 $0xFFFFF086  }
0x25: {  	[simem:s6], [sflag:s4] =	dma.local [hbm:s3], $0xF7A  }
0x26: {  	[smem:$0x3F95] =	sst s1;
	(tag) =	ssettag s2;
	_ =	strace s9  }
0x27: {  	s1 =	sld [smem:$0x3FA5]  }
0x28: {  	s2 =	sld [smem:$0x3FA6]  }
0x29: {  	s4 =	sld [smem:$0x3FA8]  }
0x2a: {  	p0 =	seq.s32 s5, $0x0;
	s5 =	sld [smem:$0x3FA9]  }
0x2b: {  	s6 =	sld [smem:$0x3FAA]  }
0x2c: {  	s7 =	sld [smem:$0x3FAB]  }
0x2d: {  	s3 =	simm.s32 $0x108;
	s8 =	sld [smem:$0x3FAC]  }
0x2e: {  	s3 =	simm.s32 @!p0 $0x1082;
	s9 =	sld [smem:$0x3FAD]  }
0x2f: {  	lr =	sadd.s32 s0, s3;
	s0 =	sld [smem:$0x3FA4]  }
0x30: {  	s3 =	sld [smem:$0x3FA7]  }
0x31: {  	[smem:$0x3FB0] =	sst s10  }
0x32: {  	s10 =	sld [smem:$0x3FAE];
	_ =	sdelay $0x3  }
0x33: {  	p0 =	seq.s32 s10, $0x1;
	s10 =	sld [smem:$0x3FB0];
	_ =	sdelay $0x3  }
0x34: {  	[smem:$0x3FB0] =	sst s10  }
0x35: {  	s10 =	sld [smem:$0x3FAF];
	_ =	sdelay $0x3  }
0x36: {  	p1 =	seq.s32 s10, $0x1;
	s10 =	sld [smem:$0x3FB0];
	_ =	sdelay $0x3  }
0x37: {  	[smem:$0x3FB0] =	sst s10  }
0x38: {  	s10 =	sld [smem:$0x3FB1]  }
0x39: {  	_ = 	snop;
	(pc) =	sbr.ind lr, $3  }
0x3a: {  	_ = 	snop  }
0x3b: {  	_ = 	snop  }
0x3c: {  	p2 =	seq.s32 s10, $0x1;
	s10 =	sld [smem:$0x3FB0]  }
0x3d: {  	_ =	shalt  }
0x3e: {  	_ =	shalt  }
0x3f: {  	_ =	shalt  }
0x40: {  	_ =	shalt  }
0x41: {  	_ =	shalt  }
0x42: {  	_ =	shalt  }
0x43: {  	_ =	shalt  }
0x44: {  	_ =	shalt  }
0x45: {  	_ =	shalt  }
0x46: {  	_ =	shalt  }
0x47: {  	_ =	shalt  }
0x48: {  	_ =	shalt  }
0x49: {  	_ =	shalt  }
0x4a: {  	_ =	shalt  }
0x4b: {  	_ =	shalt  }
0x4c: {  	_ =	shalt  }
0x4d: {  	_ =	shalt  }
0x4e: {  	_ =	shalt  }
0x4f: {  	_ =	shalt  }
0x50: {  	_ =	shalt  }
0x51: {  	_ =	shalt  }
0x52: {  	_ =	shalt  }
0x53: {  	_ =	shalt  }
0x54: {  	_ =	shalt  }
0x55: {  	_ =	shalt  }
0x56: {  	_ =	shalt  }
0x57: {  	_ =	shalt  }
0x58: {  	_ =	shalt  }
0x59: {  	_ =	shalt  }
0x5a: {  	_ =	shalt  }
0x5b: {  	_ =	shalt  }
0x5c: {  	_ =	shalt  }
0x5d: {  	_ =	shalt  }
0x5e: {  	_ =	shalt  }
0x5f: {  	_ =	shalt  }
0x60: {  	_ =	shalt  }
0x61: {  	_ =	shalt  }
0x62: {  	_ =	shalt  }
0x63: {  	_ =	shalt  }
0x64: {  	_ =	shalt  }
0x65: {  	_ =	shalt  }
0x66: {  	_ =	shalt  }
0x67: {  	_ =	shalt  }
0x68: {  	_ =	shalt  }
0x69: {  	_ =	shalt  }
0x6a: {  	_ =	shalt  }
0x6b: {  	_ =	shalt  }
0x6c: {  	_ =	shalt  }
0x6d: {  	_ =	shalt  }
0x6e: {  	_ =	shalt  }
0x6f: {  	_ =	shalt  }
0x70: {  	_ =	shalt  }
0x71: {  	_ =	shalt  }
0x72: {  	_ =	shalt  }
0x73: {  	_ =	shalt  }
0x74: {  	_ =	shalt  }
0x75: {  	_ =	shalt  }
0x76: {  	_ =	shalt  }
0x77: {  	_ =	shalt  }
0x78: {  	_ =	shalt  }
0x79: {  	_ =	shalt  }
0x7a: {  	_ =	shalt  }
0x7b: {  	_ =	shalt  }
0x7c: {  	_ =	shalt  }
0x7d: {  	_ =	shalt  }
0x7e: {  	_ =	shalt  }
0x7f: {  	_ =	shalt  }
0x80: {  	_ =	shalt  }
0x81: {  	_ =	shalt  }
0x82: {  	_ =	shalt  }
0x83: {  	_ =	shalt  }
0x84: {  	_ =	shalt  }
0x85: {  	_ =	shalt  }
0x86: {  	_ =	shalt  }
0x87: {  	_ =	shalt  }
.Lfunc_end0:
.L_simem_size_0:
called_computation.1_lowered:
.L_overlay_start_0:
0x88: {  	s2 =	sld [smem:$0x3FD9]  }
0x89: {  	s3 =	sld [smem:$0x3FFE];
	_ =	sdelay $0x1  }
0x8a: {  	s1 =	srdreg.scid  }
0x8b: {  	s0 =	sand.u32 $0x1, s1  }
0x8c: {  	s16 =	sshll.u32 s0, $0xA;
	s2 =	sadd.s32 s3, s2  }
0x8d: {  	s2 =	sadd.s32 s2, s16  }
0x8e: {  	[smem:$0x3FBC] =	sst s2  }
0x8f: {  	_ = 	snop  }
0x90: {  	(tm) =	ssettm $0x1  }
0x91: {  	s17 =	sld [smem:$0x3FFB];
	_ =	sdelay $0x3  }
0x92: {  	_ =	strace s17  }
0x93: {  	s2 =	sld [smem:$0x3FFC];
	_ =	sdelay $0x3  }
0x94: {  	_ =	strace s2  }
0x95: {  	s2 =	sld [smem:$0x3FFD];
	_ =	sdelay $0x3  }
0x96: {  	_ =	strace s2  }
0x97: {  	_ =	strace $0x8FFFFFFF  }
0x98: {  	s18 =	sld [smem:$0x3FDB];
	_ =	sdelay $0x1  }
0x99: {  	s19 =	simm.s32 $_scs_section_size  }
0x9a: {  	s4 =	simm.s32 $_size__tile_overlayer_lowered;
	s5 =	simm.s32 $_tile_overlayer_lowered  }
0x9b: {  	s22 =	simm.s32 $0x1BFF;
	s21 =	sshll.u32 s5, $0x1;
	s2 =	sadd.s32 s19, s18  }
0x9c: {  	s6 =	simm.s32 $0x0;
	s20 =	sshll.u32 s4, $0x1;
	s4 =	sadd.s32 s21, s2  }
0x9d: {  	[timem:s6], [sflag:s22] =	dma.local [hbm:s4], s20  }
0x9e: {  	_ =	swait.ge [sflag:s22], s20  }
0x9f: {  	s3 =	ssub.s32 $0x0, s20;
	[sflag:s22] =	ssyncset.done $0x0  }
0xa0: {  	[sflag:s22] =	ssyncadd.s32 s3;
	_ =	sdelay $0x1  }
0xa1: {  	s23 =	simm.s32 $0x1B8B  }
0xa2: {  	_ =	swait.ge [sflag:s23], $0x1  }
0xa3: {  	[sflag:s23] =	ssyncset.done $0x0  }
0xa4: {  	s25 =	simm.s32 $0x1B8E;
	s24 =	sld [smem:$0x3FFE];
	[sflag:s23] =	ssyncadd.s32 $0xFFFFFFFF  }
0xa5: {  	s26 =	simm.s32 $execute0_lowered;
	[smem:$0x3FD2] =	sst s25  }
0xa6: {  	s4 =	sshll.u32 s26, $0x1;
	_ =	strace $0x80000049;
	[dreg:$0x1] =	wrdreg $0xFFFFFFFF  }
0xa7: {  	s28 =	simm.s32 $_size_execute0_lowered;
	s2 =	sadd.s32 s2, s4;
	[dreg:$0x0] =	wrdreg $0x0  }
0xa8: {  	s4 =	sshll.u32 s28, $0x1;
	[dreg:$0x2] =	wrdreg s2  }
0xa9: {  	[dreg:$0x3] =	wrdreg s4  }
0xaa: {  	[dreg:$0x4] =	wrdreg $0xC0  }
0xab: {  	_ =	task [dreg:s6], $0x5FFFF  }
0xac: {  	[dreg:$0x1] =	wrdreg $0xFFFFFFFF  }
0xad: {  	[dreg:$0x0] =	wrdreg $0x60  }
0xae: {  	[dreg:$0x2] =	wrdreg s24  }
0xaf: {  	[dreg:$0x3] =	wrdreg $0x9  }
0xb0: {  	_ =	task.clear_ibuf [dreg:s6], $0x4FFFF;
	_ =	strace $0x90000049  }
0xb1: {  	s29 =	simm.s32 $0x9;
	_ =	strace $0x8000004B  }
0xb2: {  	_ =	swait.ge [sflag:s29], $0x1  }
0xb3: {  	[sflag:s29] =	ssyncadd.s32 $0xFFFFFFFF  }
0xb4: {  	_ =	strace $0x9000004B  }
0xb5: {  	_ =	sfence  }
0xb6: {  	s30 =	sld [smem:$0x0];
	_ =	sdelay $0x2  }
0xb7: {  	s31 =	sshll.u32 s1, $0xD;
	s1 =	sshrl.u32 s1, $0x2  }
0xb8: {  	s3 =	sand.u32 $0x4000, s31;
	s1 =	sadd.s32 s1, s30  }
0xb9: {  	s0 =	sor.u32 s3, s0;
	s1 =	sshll.u32 s1, $0x11  }
0xba: {  	s0 =	sor.u32 s1, s0  }
0xbb: {  	s0 =	sadd.s32 $0x8F2B, s0  }
0xbc: {  	[sflag:s0] =	ssyncadd.remote.s32 $0x1  }
0xbd: {  	_ =	sfence.sel $0xFFFF  }
0xbe: {  	[dreg:$0x0] =	wrdreg $0xFFFFFFFF;
	(pc) =	sbr.abs _section_cstart, $3  }
0xbf: {  	[dreg:$0x1] =	wrdreg $0xFFFFFFFF  }
0xc0: {  	_ =	task.clear_ibuf [dreg:s6], $0x2FFFF;
	_ =	strace $0x9FFFFFFF  }
0xc1: {  	(tm) =	ssettm $0x7FFFFFFF  }
tec
execute0_lowered:
.L_overlay_start_1:
0x0: {  	(tag) =	ssettag $0x1  }
0x1: {  	s6 =	rddreg [dreg:$0x0]  }
0x2: {  	s0 =	rddreg [dreg:$0x1]  }
0x3: {  	s1 =	simm.s32 $0x0;
	s2 =	srdreg.scid;
	s11 =	simm.s32 $0x80  }
0x4: {  	s12 =	simm.s32 $0x1480;
	s13 =	simm.s32 $0x1;
	s14 =	simm.s32 $0x2880  }
0x5: {  	s15 =	simm.s32 $0x0;
	[smem:$0x7FF] =	sst s1;
	s3 =	sadd.s32 $0xE1C00, s6  }
0x6: {  	s7 =	sand.u32 $0x1, s2;
	s4 =	sadd.s32 $0xCFD800, s6;
	s2 =	stileid.u32  }
0x7: {  	s5 =	sadd.s32 $0xC9400, s6;
	s6 =	sadd.s32 $0x319C800, s6;
	s8 =	ssub.s32 $0x2, s7  }
0x8: {  	_ =	strace $0x8000004A;
	s10 =	sshll.u32 s2, $0x1;
	s9 =	sshrl.u32 s8, $0x1  }
0x9: {  	s7 =	sor.u32 s7, s10;
	s10 =	simm.s32 $0x28;
	s8 =	ssub.s32 s8, s9  }
0xa: {  	s7 =	smul.u32 $0x271, s7;
	s9 =	simm.s32 $0x2;
	s8 =	smax.u32 s8, $0x1  }
.LBB2_1:
0xb: {  	s16 =	simm.s32 $0x0  }
.LBB2_2:
0xc: {  	s17 =	sadd.s32 s7, s16  }
0xd: {  	s18 =	smul.u32 $0x5, s17;
	_ =	sdelay $0x1  }
0xe: {  	s19 =	simm.s32 $0x0;
	s18 =	sadd.s32 s5, s18  }
0xf: {  	[tilespmem:s19], [sflag:$0x2] =	stream.linear.gather [hbm4b:s18+s19], $0x28, $0x38;
	[tilespmem:$0x3C80] =	vst v63  }
0x10: {  	_ =	swait.ge [sflag:s9], $0x28  }
0x11: {  	[sflag:s9] =	ssyncset.done $0x0  }
0x12: {  	s17 =	smul.u32 $0x280, s17;
	[sflag:s9] =	ssyncadd.s32 $0xFFFFFFD8  }
0x13: {  	[tilespmem:s11], [sflag:$0x1] =	stream.indirect.gather [hbm4b:s3+s10], $0x80, s19, s10, $0xb8;
	[tilespmem:$0x3C80] =	vst v63  }
0x14: {  	s31 =	sadd.s32 s4, s17  }
0x15: {  	[tilespmem:s12], [sflag:$0x2] =	stream.linear.gather [hbm4b:s31+s19], $0x1400, $0x38;
	[tilespmem:$0x3C80] =	vst v63  }
0x16: {  	_ =	swait.ge [sflag:s9], $0x1400  }
0x17: {  	[sflag:s9] =	ssyncset.done $0x0  }
0x18: {  	[sflag:s9] =	ssyncadd.s32 $0xFFFFEC00  }
0x19: {  	_ =	swait.ge [sflag:s13], $0x1400  }
0x1a: {  	[sflag:s13] =	ssyncset.done $0x0  }
0x1b: {  	s18 =	simm.s32 $0x0;
	[sflag:s13] =	ssyncadd.s32 $0xFFFFEC00  }
0x1c: {  	v2 =	vld [tilespmem:s18+$0xB0]  }
0x1d: {  	v4 =	vld [tilespmem:s18+$0x14B0]  }
0x1e: {  	v5 =	vld [tilespmem:s18+$0x80]  }
0x1f: {  	v6 =	vld [tilespmem:s18+$0x1480]  }
0x20: {  	v1 =	vld [tilespmem:s18+$0x90]  }
0x21: {  	v3 =	vld [tilespmem:s18+$0x1490]  }
0x22: {  	v0 =	vld [tilespmem:s18+$0xA0];
	v7 =	vmul.f32 v4, v2  }
0x23: {  	s19 =	simm.s32 $0x80;
	v4 =	vld [tilespmem:s18+$0x14A0]  }
0x24: {  	s20 =	simm.s32 $0x400;
	v2 =	vld [tilespmem:s19+$0xB0];
	v5 =	vmul.f32 v6, v5;
	[tilespmem:s18+$0x28B0] =	vst v7  }
.LBB2_3:
0x25: {  	p0 =	sne.s32 s20, $0x4E00;
	v6 =	vld [tilespmem:s19+$0x14B0]  }
0x26: {  	v7 =	vld [tilespmem:s19+$0x80];
	[tilespmem:s18+$0x2880] =	vst v5;
	v3 =	vmul.f32 v3, v1  }
0x27: {  	v5 =	vld [tilespmem:s19+$0x1480]  }
.Ltmp0:
0x28: {  	v1 =	vld [tilespmem:s19+$0x90];
	[tilespmem:s18+$0x2890] =	vst v3;
	v4 =	vmul.f32 v4, v0;
	(pc) =	sbr.rel @p0 .LBB2_3-.Ltmp0, $4  }
0x29: {  	v3 =	vld [tilespmem:s19+$0x1490]  }
0x2a: {  	v0 =	vld [tilespmem:s19+$0xA0];
	v6 =	vmul.f32 v6, v2;
	[tilespmem:s18+$0x28A0] =	vst v4;
	s18 =	smov.u32 s19  }
0x2b: {  	s19 =	sshra.s32 s20, $0x2;
	v4 =	vld [tilespmem:s18+$0x14A0]  }
0x2c: {  	s20 =	sadd.s32 $0x200, s20;
	v2 =	vld [tilespmem:s19+$0xB0];
	v5 =	vmul.f32 v5, v7;
	[tilespmem:s18+$0x28B0] =	vst v6  }
0x2d: {  	v6 =	vld [tilespmem:s19+$0x14B0]  }
0x2e: {  	v7 =	vld [tilespmem:s19+$0x80];
	[tilespmem:s18+$0x2880] =	vst v5;
	v1 =	vmul.f32 v3, v1  }
0x2f: {  	v62 =	vld [tilespmem:s19+$0x1480]  }
0x30: {  	v5 =	vld [tilespmem:s19+$0x90];
	[tilespmem:s18+$0x2890] =	vst v1;
	v0 =	vmul.f32 v4, v0  }
0x31: {  	v1 =	vld [tilespmem:s19+$0x1490]  }
0x32: {  	v63 =	vld [tilespmem:s19+$0xA0];
	[tilespmem:s18+$0x28A0] =	vst v0  }
0x33: {  	v0 =	vld [tilespmem:s19+$0x14A0];
	_ =	sdelay $0x1  }
0x34: {  	v2 =	vmul.f32 v6, v2  }
0x35: {  	v3 =	vmul.f32 v62, v7  }
0x36: {  	[tilespmem:s19+$0x28B0] =	vst v2;
	v1 =	vmul.f32 v1, v5  }
0x37: {  	s16 =	sadd.s32 $0x1, s16;
	[tilespmem:s19+$0x2880] =	vst v3;
	v0 =	vmul.f32 v0, v63  }
0x38: {  	p0 =	sne.s32 s16, $0x271;
	[tilespmem:s19+$0x2890] =	vst v1  }
.Ltmp1:
0x39: {  	s17 =	sadd.s32 s6, s17;
	[tilespmem:s19+$0x28A0] =	vst v0;
	(pc) =	sbr.rel @p0 .LBB2_2-.Ltmp1, $4  }
0x3a: {  	[hbm4b:s17+s1] =	stream.linear.scatter [tilespmem:s14], [sflag:$0x2], $0x1400, $0x38;
	[tilespmem:$0x3C80] =	vst v63  }
0x3b: {  	_ =	swait.ge [sflag:s9], $0x1400  }
0x3c: {  	[sflag:s9] =	ssyncset.done $0x0  }
0x3d: {  	[sflag:s9] =	ssyncadd.s32 $0xFFFFEC00  }
0x3e: {  	s15 =	sadd.s32 $0x1, s15  }
0x3f: {  	p0 =	sne.s32 s15, s8  }
.Ltmp2:
0x40: {  	_ = 	snop;
	(pc) =	sbr.rel @p0 .LBB2_1-.Ltmp2, $1  }
0x41: {  	_ =	sdelay $0x3  }
0x42: {  	_ =	sfence.sel $0x180000  }
0x43: {  	[bflag:$0x0] =	sbarrier.arrive $0xFFFF  }
0x44: {  	p0 =	sne.s32 s2, $0x0;
	_ =	strace $0x9000004A  }
0x45: {  	s0 =	sadd.s32 @!p0 $0x100000, s0;
	[bflag:$0x2] =	sbarrier.arrive $0xFFFF  }
0x46: {  	[sflag:s0] =	ssyncadd.tile.s32 @!p0 $0x1;
	_ =	shalt  }
.Lfunc_end2:
_tile_overlayer_lowered:
.L_overlay_start_2:
0x47: {  	(tag) =	ssettag $0x2  }
0x48: {  	s0 =	rddreg [dreg:$0x0];
	s2 =	stileid.u32  }
0x49: {  	s1 =	rddreg [dreg:$0x1];
	p0 =	sne.s32 s2, $0x0  }
0x4a: {  	s3 =	rddreg [dreg:$0x2];
	[bflag:$0x3] =	sbarrier.arrive $0xFFFF;
	s2 =	simm.s32 @!p0 $0x1C02  }
0x4b: {  	[timem:s3], [sflag:s2] =	dma.local @!p0 [hbm:s0], s1  }
0x4c: {  	s0 =	simm.s32 @!p0 $0x2  }
0x4d: {  	_ =	swait.ge @!p0 [sflag:s0], s1  }
0x4e: {  	s1 =	ssub.s32 @!p0 $0x0, s1;
	[sflag:s0] =	ssyncset.done @!p0 $0x0  }
0x4f: {  	[sflag:s0] =	ssyncadd.s32 @!p0 s1  }
0x50: {  	[bflag:$0x3] =	sbarrier.arrive $0xFFFF  }
0x51: {  	_ =	shalt  }

// kernel: kernel.20.cloned.1.call-start
scs
__scs_entry_jumppad:
0x0: {  	(pc) =	sbr.rel $0x88, $3  }
0x1: {  	(tag) =	ssettag $0x0;
	lr =	simm.s32 $0x1  }
0x2: {  	[smem:$0x3F95] =	sst lr;
	_ =	strace $0xD0000000  }
0x3: {  	_ = 	snop  }
0x4: {  	_ = 	snop  }
0x5: {  	_ = 	snop  }
0x6: {  	_ = 	snop  }
0x7: {  	_ = 	snop  }
__scs_overlays_trampoline_lowered:
0x8: {  	[smem:$0x3FA4] =	sst s0  }
0x9: {  	[smem:$0x3FA5] =	sst s1  }
0xa: {  	[smem:$0x3FA6] =	sst s2  }
0xb: {  	[smem:$0x3FA7] =	sst s3  }
0xc: {  	[smem:$0x3FA8] =	sst s4  }
0xd: {  	[smem:$0x3FA9] =	sst s5  }
0xe: {  	[smem:$0x3FAA] =	sst s6  }
0xf: {  	[smem:$0x3FAB] =	sst s7  }
0x10: {  	[smem:$0x3FAC] =	sst s8  }
0x11: {  	[smem:$0x3FAD] =	sst s9;
	s0 =	simm.s32 @!p0 $0x0  }
0x12: {  	s1 =	sld [smem:$0x3F93];
	s0 =	simm.s32 @p0 $0x1  }
0x13: {  	[smem:$0x3FAE] =	sst s0;
	s0 =	simm.s32 @!p1 $0x0  }
0x14: {  	s2 =	sld [smem:$0x3F92];
	s0 =	simm.s32 @p1 $0x1  }
0x15: {  	[smem:$0x3FAF] =	sst s0;
	s0 =	simm.s32 @!p2 $0x0  }
0x16: {  	s3 =	sld [smem:$0x3FDB];
	s0 =	simm.s32 @p2 $0x1  }
0x17: {  	s4 =	simm.s32 $0x1BF5;
	[smem:$0x3FB1] =	sst s0  }
0x18: {  	s0 =	sld [smem:$0x3F94];
	_ =	swait.ge [sflag:s4], $0x0  }
0x19: {  	s7 =	sld [smem:$0x3F95]  }
0x1a: {  	s8 =	sadd.s32 $0xFFFFE003, lr  }
0x1b: {  	s9 =	sadd.s32 $0xFFFFFEF7, lr;
	s5 =	simm.s32 $0xFFFFFFFF;
	p2 =	slt.u32 s8, $0xFFFFF086  }
0x1c: {  	p1 =	slt.u32 s9, $0xF7A;
	s5 =	simm.s32 @!p2 $0x0  }
0x1d: {  	s5 =	simm.s32 @p1 $0x1;
	p0 =	seq.s32 s7, s2  }
0x1e: {  	s7 =	smul.u32 @!p0 $0xF7A, s2;
	p2 =	seq.s32 @!p0 s5, $0x0  }
0x1f: {  	s9 =	smul.u32 $0xF7A, s1;
	s8 =	simm.s32 @!p0 $0x1BF5;
	p2 =	por !p2, p0  }
0x20: {  	[sflag:s8] =	ssyncset.s32 @!p0 $0xFFFFF086;
	s6 =	sadd.s32 @!p0 s3, s7;
	s7 =	simm.s32 @!p0 $0x108  }
0x21: {  	s3 =	sadd.s32 s3, s9;
	s6 =	sadd.s32 @!p0 $0x88, s6;
	s7 =	simm.s32 @p2 $0x1082  }
0x22: {  	[simem:s7], [sflag:s8] =	dma.local @!p0 [hbm:s6], $0xF7A  }
0x23: {  	s9 =	sor.u32 $0xD0000000, s2;
	s6 =	simm.s32 $0x108;
	_ =	swait.ge @!p0 [sflag:s8], $0x0  }
0x24: {  	s3 =	sadd.s32 $0x88, s3;
	s6 =	simm.s32 @!p1 $0x1082;
	[sflag:s4] =	ssyncset.s32 $0xFFFFF086  }
0x25: {  	[simem:s6], [sflag:s4] =	dma.local [hbm:s3], $0xF7A  }
0x26: {  	[smem:$0x3F95] =	sst s1;
	(tag) =	ssettag s2;
	_ =	strace s9  }
0x27: {  	s1 =	sld [smem:$0x3FA5]  }
0x28: {  	s2 =	sld [smem:$0x3FA6]  }
0x29: {  	s4 =	sld [smem:$0x3FA8]  }
0x2a: {  	p0 =	seq.s32 s5, $0x0;
	s5 =	sld [smem:$0x3FA9]  }
0x2b: {  	s6 =	sld [smem:$0x3FAA]  }
0x2c: {  	s7 =	sld [smem:$0x3FAB]  }
0x2d: {  	s3 =	simm.s32 $0x108;
	s8 =	sld [smem:$0x3FAC]  }
0x2e: {  	s3 =	simm.s32 @!p0 $0x1082;
	s9 =	sld [smem:$0x3FAD]  }
0x2f: {  	lr =	sadd.s32 s0, s3;
	s0 =	sld [smem:$0x3FA4]  }
0x30: {  	s3 =	sld [smem:$0x3FA7]  }
0x31: {  	[smem:$0x3FB0] =	sst s10  }
0x32: {  	s10 =	sld [smem:$0x3FAE];
	_ =	sdelay $0x3  }
0x33: {  	p0 =	seq.s32 s10, $0x1;
	s10 =	sld [smem:$0x3FB0];
	_ =	sdelay $0x3  }
0x34: {  	[smem:$0x3FB0] =	sst s10  }
0x35: {  	s10 =	sld [smem:$0x3FAF];
	_ =	sdelay $0x3  }
0x36: {  	p1 =	seq.s32 s10, $0x1;
	s10 =	sld [smem:$0x3FB0];
	_ =	sdelay $0x3  }
0x37: {  	[smem:$0x3FB0] =	sst s10  }
0x38: {  	s10 =	sld [smem:$0x3FB1]  }
0x39: {  	_ = 	snop;
	(pc) =	sbr.ind lr, $3  }
0x3a: {  	_ = 	snop  }
0x3b: {  	_ = 	snop  }
0x3c: {  	p2 =	seq.s32 s10, $0x1;
	s10 =	sld [smem:$0x3FB0]  }
0x3d: {  	_ =	shalt  }
0x3e: {  	_ =	shalt  }
0x3f: {  	_ =	shalt  }
0x40: {  	_ =	shalt  }
0x41: {  	_ =	shalt  }
0x42: {  	_ =	shalt  }
0x43: {  	_ =	shalt  }
0x44: {  	_ =	shalt  }
0x45: {  	_ =	shalt  }
0x46: {  	_ =	shalt  }
0x47: {  	_ =	shalt  }
0x48: {  	_ =	shalt  }
0x49: {  	_ =	shalt  }
0x4a: {  	_ =	shalt  }
0x4b: {  	_ =	shalt  }
0x4c: {  	_ =	shalt  }
0x4d: {  	_ =	shalt  }
0x4e: {  	_ =	shalt  }
0x4f: {  	_ =	shalt  }
0x50: {  	_ =	shalt  }
0x51: {  	_ =	shalt  }
0x52: {  	_ =	shalt  }
0x53: {  	_ =	shalt  }
0x54: {  	_ =	shalt  }
0x55: {  	_ =	shalt  }
0x56: {  	_ =	shalt  }
0x57: {  	_ =	shalt  }
0x58: {  	_ =	shalt  }
0x59: {  	_ =	shalt  }
0x5a: {  	_ =	shalt  }
0x5b: {  	_ =	shalt  }
0x5c: {  	_ =	shalt  }
0x5d: {  	_ =	shalt  }
0x5e: {  	_ =	shalt  }
0x5f: {  	_ =	shalt  }
0x60: {  	_ =	shalt  }
0x61: {  	_ =	shalt  }
0x62: {  	_ =	shalt  }
0x63: {  	_ =	shalt  }
0x64: {  	_ =	shalt  }
0x65: {  	_ =	shalt  }
0x66: {  	_ =	shalt  }
0x67: {  	_ =	shalt  }
0x68: {  	_ =	shalt  }
0x69: {  	_ =	shalt  }
0x6a: {  	_ =	shalt  }
0x6b: {  	_ =	shalt  }
0x6c: {  	_ =	shalt  }
0x6d: {  	_ =	shalt  }
0x6e: {  	_ =	shalt  }
0x6f: {  	_ =	shalt  }
0x70: {  	_ =	shalt  }
0x71: {  	_ =	shalt  }
0x72: {  	_ =	shalt  }
0x73: {  	_ =	shalt  }
0x74: {  	_ =	shalt  }
0x75: {  	_ =	shalt  }
0x76: {  	_ =	shalt  }
0x77: {  	_ =	shalt  }
0x78: {  	_ =	shalt  }
0x79: {  	_ =	shalt  }
0x7a: {  	_ =	shalt  }
0x7b: {  	_ =	shalt  }
0x7c: {  	_ =	shalt  }
0x7d: {  	_ =	shalt  }
0x7e: {  	_ =	shalt  }
0x7f: {  	_ =	shalt  }
0x80: {  	_ =	shalt  }
0x81: {  	_ =	shalt  }
0x82: {  	_ =	shalt  }
0x83: {  	_ =	shalt  }
0x84: {  	_ =	shalt  }
0x85: {  	_ =	shalt  }
0x86: {  	_ =	shalt  }
0x87: {  	_ =	shalt  }
.Lfunc_end0:
.L_simem_size_0:
called_computation.2_lowered:
.L_overlay_start_0:
0x88: {  	s2 =	sld [smem:$0x3FD9]  }
0x89: {  	s3 =	sld [smem:$0x3FFE];
	_ =	sdelay $0x1  }
0x8a: {  	s1 =	srdreg.scid  }
0x8b: {  	s0 =	sand.u32 $0x1, s1  }
0x8c: {  	s16 =	sshll.u32 s0, $0xA;
	s2 =	sadd.s32 s3, s2  }
0x8d: {  	s2 =	sadd.s32 s2, s16  }
0x8e: {  	[smem:$0x3FBC] =	sst s2  }
0x8f: {  	_ = 	snop  }
0x90: {  	(tm) =	ssettm $0x1  }
0x91: {  	s17 =	sld [smem:$0x3FFB];
	_ =	sdelay $0x3  }
0x92: {  	_ =	strace s17  }
0x93: {  	s2 =	sld [smem:$0x3FFC];
	_ =	sdelay $0x3  }
0x94: {  	_ =	strace s2  }
0x95: {  	s2 =	sld [smem:$0x3FFD];
	_ =	sdelay $0x3  }
0x96: {  	_ =	strace s2  }
0x97: {  	_ =	strace $0x8FFFFFFF  }
0x98: {  	s18 =	sld [smem:$0x3FDB];
	_ =	sdelay $0x1  }
0x99: {  	s19 =	simm.s32 $_scs_section_size  }
0x9a: {  	s4 =	simm.s32 $_size__tile_overlayer_lowered;
	s5 =	simm.s32 $_tile_overlayer_lowered  }
0x9b: {  	s22 =	simm.s32 $0x1BFF;
	s21 =	sshll.u32 s5, $0x1;
	s2 =	sadd.s32 s19, s18  }
0x9c: {  	s6 =	simm.s32 $0x0;
	s20 =	sshll.u32 s4, $0x1;
	s4 =	sadd.s32 s21, s2  }
0x9d: {  	[timem:s6], [sflag:s22] =	dma.local [hbm:s4], s20  }
0x9e: {  	_ =	swait.ge [sflag:s22], s20  }
0x9f: {  	s3 =	ssub.s32 $0x0, s20;
	[sflag:s22] =	ssyncset.done $0x0  }
0xa0: {  	[sflag:s22] =	ssyncadd.s32 s3;
	_ =	sdelay $0x1  }
0xa1: {  	s23 =	simm.s32 $0x1B8B  }
0xa2: {  	_ =	swait.ge [sflag:s23], $0x1  }
0xa3: {  	[sflag:s23] =	ssyncset.done $0x0  }
0xa4: {  	s25 =	simm.s32 $0x1B8E;
	s24 =	sld [smem:$0x3FFE];
	[sflag:s23] =	ssyncadd.s32 $0xFFFFFFFF  }
0xa5: {  	s26 =	simm.s32 $execute0_lowered;
	[smem:$0x3FD2] =	sst s25  }
0xa6: {  	s4 =	sshll.u32 s26, $0x1;
	_ =	strace $0x8000004C;
	[dreg:$0x1] =	wrdreg $0xFFFFFFFF  }
0xa7: {  	s28 =	simm.s32 $_size_execute0_lowered;
	s2 =	sadd.s32 s2, s4;
	[dreg:$0x0] =	wrdreg $0x0  }
0xa8: {  	s4 =	sshll.u32 s28, $0x1;
	[dreg:$0x2] =	wrdreg s2  }
0xa9: {  	[dreg:$0x3] =	wrdreg s4  }
0xaa: {  	[dreg:$0x4] =	wrdreg $0xC0  }
0xab: {  	_ =	task [dreg:s6], $0x5FFFF  }
0xac: {  	[dreg:$0x1] =	wrdreg $0xFFFFFFFF  }
0xad: {  	[dreg:$0x0] =	wrdreg $0x60  }
0xae: {  	[dreg:$0x2] =	wrdreg s24  }
0xaf: {  	[dreg:$0x3] =	wrdreg $0x9  }
0xb0: {  	_ =	task.clear_ibuf [dreg:s6], $0x4FFFF;
	_ =	strace $0x9000004C  }
0xb1: {  	s29 =	simm.s32 $0x9;
	_ =	strace $0x8000004E  }
0xb2: {  	_ =	swait.ge [sflag:s29], $0x1  }
0xb3: {  	[sflag:s29] =	ssyncadd.s32 $0xFFFFFFFF  }
0xb4: {  	_ =	strace $0x9000004E  }
0xb5: {  	_ =	sfence  }
0xb6: {  	s30 =	sld [smem:$0x0];
	_ =	sdelay $0x2  }
0xb7: {  	s31 =	sshll.u32 s1, $0xD;
	s1 =	sshrl.u32 s1, $0x2  }
0xb8: {  	s3 =	sand.u32 $0x4000, s31;
	s1 =	sadd.s32 s1, s30  }
0xb9: {  	s0 =	sor.u32 s3, s0;
	s1 =	sshll.u32 s1, $0x11  }
0xba: {  	s0 =	sor.u32 s1, s0  }
0xbb: {  	s0 =	sadd.s32 $0x8F2B, s0  }
0xbc: {  	[sflag:s0] =	ssyncadd.remote.s32 $0x1  }
0xbd: {  	_ =	sfence.sel $0xFFFF  }
0xbe: {  	[dreg:$0x0] =	wrdreg $0xFFFFFFFF;
	(pc) =	sbr.abs _section_cstart, $3  }
0xbf: {  	[dreg:$0x1] =	wrdreg $0xFFFFFFFF  }
0xc0: {  	_ =	task.clear_ibuf [dreg:s6], $0x2FFFF;
	_ =	strace $0x9FFFFFFF  }
0xc1: {  	(tm) =	ssettm $0x7FFFFFFF  }
tec
execute0_lowered:
.L_overlay_start_1:
0x0: {  	(tag) =	ssettag $0x1  }
0x1: {  	s6 =	rddreg [dreg:$0x0]  }
0x2: {  	s0 =	rddreg [dreg:$0x1]  }
0x3: {  	s1 =	simm.s32 $0x0;
	s2 =	srdreg.scid;
	s11 =	simm.s32 $0x80  }
0x4: {  	s12 =	simm.s32 $0x1480;
	s13 =	simm.s32 $0x1;
	s14 =	simm.s32 $0x2880  }
0x5: {  	s15 =	simm.s32 $0x0;
	[smem:$0x7FF] =	sst s1;
	s3 =	sadd.s32 $0x1A6200, s6  }
0x6: {  	s7 =	sand.u32 $0x1, s2;
	s4 =	sadd.s32 $0x1932800, s6;
	s2 =	stileid.u32  }
0x7: {  	s5 =	sadd.s32 $0xC9400, s6;
	s6 =	sadd.s32 $0x32CE00, s6;
	s8 =	ssub.s32 $0x2, s7  }
0x8: {  	_ =	strace $0x8000004D;
	s10 =	sshll.u32 s2, $0x1;
	s9 =	sshrl.u32 s8, $0x1  }
0x9: {  	s7 =	sor.u32 s7, s10;
	s10 =	simm.s32 $0x28;
	s8 =	ssub.s32 s8, s9  }
0xa: {  	s7 =	smul.u32 $0x271, s7;
	s9 =	simm.s32 $0x2;
	s8 =	smax.u32 s8, $0x1  }
.LBB2_1:
0xb: {  	s16 =	simm.s32 $0x0  }
.LBB2_2:
0xc: {  	s17 =	sadd.s32 s7, s16  }
0xd: {  	s18 =	smul.u32 $0x5, s17;
	_ =	sdelay $0x1  }
0xe: {  	s19 =	simm.s32 $0x0;
	s18 =	sadd.s32 s5, s18  }
0xf: {  	[tilespmem:s19], [sflag:$0x2] =	stream.linear.gather [hbm4b:s18+s19], $0x28, $0x38;
	[tilespmem:$0x3C80] =	vst v63  }
0x10: {  	_ =	swait.ge [sflag:s9], $0x28  }
0x11: {  	[sflag:s9] =	ssyncset.done $0x0  }
0x12: {  	s17 =	smul.u32 $0x280, s17;
	[sflag:s9] =	ssyncadd.s32 $0xFFFFFFD8  }
0x13: {  	[tilespmem:s11], [sflag:$0x1] =	stream.indirect.gather [hbm4b:s3+s10], $0x80, s19, s10, $0xb8;
	[tilespmem:$0x3C80] =	vst v63  }
0x14: {  	s31 =	sadd.s32 s4, s17  }
0x15: {  	[tilespmem:s12], [sflag:$0x2] =	stream.linear.gather [hbm4b:s31+s19], $0x1400, $0x38;
	[tilespmem:$0x3C80] =	vst v63  }
0x16: {  	_ =	swait.ge [sflag:s9], $0x1400  }
0x17: {  	[sflag:s9] =	ssyncset.done $0x0  }
0x18: {  	[sflag:s9] =	ssyncadd.s32 $0xFFFFEC00  }
0x19: {  	_ =	swait.ge [sflag:s13], $0x1400  }
0x1a: {  	[sflag:s13] =	ssyncset.done $0x0  }
0x1b: {  	s18 =	simm.s32 $0x0;
	[sflag:s13] =	ssyncadd.s32 $0xFFFFEC00  }
0x1c: {  	v2 =	vld [tilespmem:s18+$0xB0]  }
0x1d: {  	v4 =	vld [tilespmem:s18+$0x14B0]  }
0x1e: {  	v5 =	vld [tilespmem:s18+$0x80]  }
0x1f: {  	v6 =	vld [tilespmem:s18+$0x1480]  }
0x20: {  	v1 =	vld [tilespmem:s18+$0x90]  }
0x21: {  	v3 =	vld [tilespmem:s18+$0x1490]  }
0x22: {  	v0 =	vld [tilespmem:s18+$0xA0];
	v7 =	vmul.f32 v4, v2  }
0x23: {  	s19 =	simm.s32 $0x80;
	v4 =	vld [tilespmem:s18+$0x14A0]  }
0x24: {  	s20 =	simm.s32 $0x400;
	v2 =	vld [tilespmem:s19+$0xB0];
	v5 =	vmul.f32 v6, v5;
	[tilespmem:s18+$0x28B0] =	vst v7  }
.LBB2_3:
0x25: {  	p0 =	sne.s32 s20, $0x4E00;
	v6 =	vld [tilespmem:s19+$0x14B0]  }
0x26: {  	v7 =	vld [tilespmem:s19+$0x80];
	[tilespmem:s18+$0x2880] =	vst v5;
	v3 =	vmul.f32 v3, v1  }
0x27: {  	v5 =	vld [tilespmem:s19+$0x1480]  }
.Ltmp0:
0x28: {  	v1 =	vld [tilespmem:s19+$0x90];
	[tilespmem:s18+$0x2890] =	vst v3;
	v4 =	vmul.f32 v4, v0;
	(pc) =	sbr.rel @p0 .LBB2_3-.Ltmp0, $4  }
0x29: {  	v3 =	vld [tilespmem:s19+$0x1490]  }
0x2a: {  	v0 =	vld [tilespmem:s19+$0xA0];
	v6 =	vmul.f32 v6, v2;
	[tilespmem:s18+$0x28A0] =	vst v4;
	s18 =	smov.u32 s19  }
0x2b: {  	s19 =	sshra.s32 s20, $0x2;
	v4 =	vld [tilespmem:s18+$0x14A0]  }
0x2c: {  	s20 =	sadd.s32 $0x200, s20;
	v2 =	vld [tilespmem:s19+$0xB0];
	v5 =	vmul.f32 v5, v7;
	[tilespmem:s18+$0x28B0] =	vst v6  }
0x2d: {  	v6 =	vld [tilespmem:s19+$0x14B0]  }
0x2e: {  	v7 =	vld [tilespmem:s19+$0x80];
	[tilespmem:s18+$0x2880] =	vst v5;
	v1 =	vmul.f32 v3, v1  }
0x2f: {  	v62 =	vld [tilespmem:s19+$0x1480]  }
0x30: {  	v5 =	vld [tilespmem:s19+$0x90];
	[tilespmem:s18+$0x2890] =	vst v1;
	v0 =	vmul.f32 v4, v0  }
0x31: {  	v1 =	vld [tilespmem:s19+$0x1490]  }
0x32: {  	v63 =	vld [tilespmem:s19+$0xA0];
	[tilespmem:s18+$0x28A0] =	vst v0  }
0x33: {  	v0 =	vld [tilespmem:s19+$0x14A0];
	_ =	sdelay $0x1  }
0x34: {  	v2 =	vmul.f32 v6, v2  }
0x35: {  	v3 =	vmul.f32 v62, v7  }
0x36: {  	[tilespmem:s19+$0x28B0] =	vst v2;
	v1 =	vmul.f32 v1, v5  }
0x37: {  	s16 =	sadd.s32 $0x1, s16;
	[tilespmem:s19+$0x2880] =	vst v3;
	v0 =	vmul.f32 v0, v63  }
0x38: {  	p0 =	sne.s32 s16, $0x271;
	[tilespmem:s19+$0x2890] =	vst v1  }
.Ltmp1:
0x39: {  	s17 =	sadd.s32 s6, s17;
	[tilespmem:s19+$0x28A0] =	vst v0;
	(pc) =	sbr.rel @p0 .LBB2_2-.Ltmp1, $4  }
0x3a: {  	[hbm4b:s17+s1] =	stream.linear.scatter [tilespmem:s14], [sflag:$0x2], $0x1400, $0x38;
	[tilespmem:$0x3C80] =	vst v63  }
0x3b: {  	_ =	swait.ge [sflag:s9], $0x1400  }
0x3c: {  	[sflag:s9] =	ssyncset.done $0x0  }
0x3d: {  	[sflag:s9] =	ssyncadd.s32 $0xFFFFEC00  }
0x3e: {  	s15 =	sadd.s32 $0x1, s15  }
0x3f: {  	p0 =	sne.s32 s15, s8  }
.Ltmp2:
0x40: {  	_ = 	snop;
	(pc) =	sbr.rel @p0 .LBB2_1-.Ltmp2, $1  }
0x41: {  	_ =	sdelay $0x3  }
0x42: {  	_ =	sfence.sel $0x180000  }
0x43: {  	[bflag:$0x0] =	sbarrier.arrive $0xFFFF  }
0x44: {  	p0 =	sne.s32 s2, $0x0;
	_ =	strace $0x9000004D  }
0x45: {  	s0 =	sadd.s32 @!p0 $0x100000, s0;
	[bflag:$0x2] =	sbarrier.arrive $0xFFFF  }
0x46: {  	[sflag:s0] =	ssyncadd.tile.s32 @!p0 $0x1;
	_ =	shalt  }
.Lfunc_end2:
_tile_overlayer_lowered:
.L_overlay_start_2:
0x47: {  	(tag) =	ssettag $0x2  }
0x48: {  	s0 =	rddreg [dreg:$0x0];
	s2 =	stileid.u32  }
0x49: {  	s1 =	rddreg [dreg:$0x1];
	p0 =	sne.s32 s2, $0x0  }
0x4a: {  	s3 =	rddreg [dreg:$0x2];
	[bflag:$0x3] =	sbarrier.arrive $0xFFFF;
	s2 =	simm.s32 @!p0 $0x1C02  }
0x4b: {  	[timem:s3], [sflag:s2] =	dma.local @!p0 [hbm:s0], s1  }
0x4c: {  	s0 =	simm.s32 @!p0 $0x2  }
0x4d: {  	_ =	swait.ge @!p0 [sflag:s0], s1  }
0x4e: {  	s1 =	ssub.s32 @!p0 $0x0, s1;
	[sflag:s0] =	ssyncset.done @!p0 $0x0  }
0x4f: {  	[sflag:s0] =	ssyncadd.s32 @!p0 s1  }
0x50: {  	[bflag:$0x3] =	sbarrier.arrive $0xFFFF  }
0x51: {  	_ =	shalt  }

// kernel: kernel.23.cloned.1.call-start
scs
__scs_entry_jumppad:
0x0: {  	(pc) =	sbr.rel $0x88, $3  }
0x1: {  	(tag) =	ssettag $0x0;
	lr =	simm.s32 $0x1  }
0x2: {  	[smem:$0x3F95] =	sst lr;
	_ =	strace $0xD0000000  }
0x3: {  	_ = 	snop  }
0x4: {  	_ = 	snop  }
0x5: {  	_ = 	snop  }
0x6: {  	_ = 	snop  }
0x7: {  	_ = 	snop  }
__scs_overlays_trampoline_lowered:
0x8: {  	[smem:$0x3FA4] =	sst s0  }
0x9: {  	[smem:$0x3FA5] =	sst s1  }
0xa: {  	[smem:$0x3FA6] =	sst s2  }
0xb: {  	[smem:$0x3FA7] =	sst s3  }
0xc: {  	[smem:$0x3FA8] =	sst s4  }
0xd: {  	[smem:$0x3FA9] =	sst s5  }
0xe: {  	[smem:$0x3FAA] =	sst s6  }
0xf: {  	[smem:$0x3FAB] =	sst s7  }
0x10: {  	[smem:$0x3FAC] =	sst s8  }
0x11: {  	[smem:$0x3FAD] =	sst s9;
	s0 =	simm.s32 @!p0 $0x0  }
0x12: {  	s1 =	sld [smem:$0x3F93];
	s0 =	simm.s32 @p0 $0x1  }
0x13: {  	[smem:$0x3FAE] =	sst s0;
	s0 =	simm.s32 @!p1 $0x0  }
0x14: {  	s2 =	sld [smem:$0x3F92];
	s0 =	simm.s32 @p1 $0x1  }
0x15: {  	[smem:$0x3FAF] =	sst s0;
	s0 =	simm.s32 @!p2 $0x0  }
0x16: {  	s3 =	sld [smem:$0x3FDB];
	s0 =	simm.s32 @p2 $0x1  }
0x17: {  	s4 =	simm.s32 $0x1BF5;
	[smem:$0x3FB1] =	sst s0  }
0x18: {  	s0 =	sld [smem:$0x3F94];
	_ =	swait.ge [sflag:s4], $0x0  }
0x19: {  	s7 =	sld [smem:$0x3F95]  }
0x1a: {  	s8 =	sadd.s32 $0xFFFFE003, lr  }
0x1b: {  	s9 =	sadd.s32 $0xFFFFFEF7, lr;
	s5 =	simm.s32 $0xFFFFFFFF;
	p2 =	slt.u32 s8, $0xFFFFF086  }
0x1c: {  	p1 =	slt.u32 s9, $0xF7A;
	s5 =	simm.s32 @!p2 $0x0  }
0x1d: {  	s5 =	simm.s32 @p1 $0x1;
	p0 =	seq.s32 s7, s2  }
0x1e: {  	s7 =	smul.u32 @!p0 $0xF7A, s2;
	p2 =	seq.s32 @!p0 s5, $0x0  }
0x1f: {  	s9 =	smul.u32 $0xF7A, s1;
	s8 =	simm.s32 @!p0 $0x1BF5;
	p2 =	por !p2, p0  }
0x20: {  	[sflag:s8] =	ssyncset.s32 @!p0 $0xFFFFF086;
	s6 =	sadd.s32 @!p0 s3, s7;
	s7 =	simm.s32 @!p0 $0x108  }
0x21: {  	s3 =	sadd.s32 s3, s9;
	s6 =	sadd.s32 @!p0 $0x88, s6;
	s7 =	simm.s32 @p2 $0x1082  }
0x22: {  	[simem:s7], [sflag:s8] =	dma.local @!p0 [hbm:s6], $0xF7A  }
0x23: {  	s9 =	sor.u32 $0xD0000000, s2;
	s6 =	simm.s32 $0x108;
	_ =	swait.ge @!p0 [sflag:s8], $0x0  }
0x24: {  	s3 =	sadd.s32 $0x88, s3;
	s6 =	simm.s32 @!p1 $0x1082;
	[sflag:s4] =	ssyncset.s32 $0xFFFFF086  }
0x25: {  	[simem:s6], [sflag:s4] =	dma.local [hbm:s3], $0xF7A  }
0x26: {  	[smem:$0x3F95] =	sst s1;
	(tag) =	ssettag s2;
	_ =	strace s9  }
0x27: {  	s1 =	sld [smem:$0x3FA5]  }
0x28: {  	s2 =	sld [smem:$0x3FA6]  }
0x29: {  	s4 =	sld [smem:$0x3FA8]  }
0x2a: {  	p0 =	seq.s32 s5, $0x0;
	s5 =	sld [smem:$0x3FA9]  }
0x2b: {  	s6 =	sld [smem:$0x3FAA]  }
0x2c: {  	s7 =	sld [smem:$0x3FAB]  }
0x2d: {  	s3 =	simm.s32 $0x108;
	s8 =	sld [smem:$0x3FAC]  }
0x2e: {  	s3 =	simm.s32 @!p0 $0x1082;
	s9 =	sld [smem:$0x3FAD]  }
0x2f: {  	lr =	sadd.s32 s0, s3;
	s0 =	sld [smem:$0x3FA4]  }
0x30: {  	s3 =	sld [smem:$0x3FA7]  }
0x31: {  	[smem:$0x3FB0] =	sst s10  }
0x32: {  	s10 =	sld [smem:$0x3FAE];
	_ =	sdelay $0x3  }
0x33: {  	p0 =	seq.s32 s10, $0x1;
	s10 =	sld [smem:$0x3FB0];
	_ =	sdelay $0x3  }
0x34: {  	[smem:$0x3FB0] =	sst s10  }
0x35: {  	s10 =	sld [smem:$0x3FAF];
	_ =	sdelay $0x3  }
0x36: {  	p1 =	seq.s32 s10, $0x1;
	s10 =	sld [smem:$0x3FB0];
	_ =	sdelay $0x3  }
0x37: {  	[smem:$0x3FB0] =	sst s10  }
0x38: {  	s10 =	sld [smem:$0x3FB1]  }
0x39: {  	_ = 	snop;
	(pc) =	sbr.ind lr, $3  }
0x3a: {  	_ = 	snop  }
0x3b: {  	_ = 	snop  }
0x3c: {  	p2 =	seq.s32 s10, $0x1;
	s10 =	sld [smem:$0x3FB0]  }
0x3d: {  	_ =	shalt  }
0x3e: {  	_ =	shalt  }
0x3f: {  	_ =	shalt  }
0x40: {  	_ =	shalt  }
0x41: {  	_ =	shalt  }
0x42: {  	_ =	shalt  }
0x43: {  	_ =	shalt  }
0x44: {  	_ =	shalt  }
0x45: {  	_ =	shalt  }
0x46: {  	_ =	shalt  }
0x47: {  	_ =	shalt  }
0x48: {  	_ =	shalt  }
0x49: {  	_ =	shalt  }
0x4a: {  	_ =	shalt  }
0x4b: {  	_ =	shalt  }
0x4c: {  	_ =	shalt  }
0x4d: {  	_ =	shalt  }
0x4e: {  	_ =	shalt  }
0x4f: {  	_ =	shalt  }
0x50: {  	_ =	shalt  }
0x51: {  	_ =	shalt  }
0x52: {  	_ =	shalt  }
0x53: {  	_ =	shalt  }
0x54: {  	_ =	shalt  }
0x55: {  	_ =	shalt  }
0x56: {  	_ =	shalt  }
0x57: {  	_ =	shalt  }
0x58: {  	_ =	shalt  }
0x59: {  	_ =	shalt  }
0x5a: {  	_ =	shalt  }
0x5b: {  	_ =	shalt  }
0x5c: {  	_ =	shalt  }
0x5d: {  	_ =	shalt  }
0x5e: {  	_ =	shalt  }
0x5f: {  	_ =	shalt  }
0x60: {  	_ =	shalt  }
0x61: {  	_ =	shalt  }
0x62: {  	_ =	shalt  }
0x63: {  	_ =	shalt  }
0x64: {  	_ =	shalt  }
0x65: {  	_ =	shalt  }
0x66: {  	_ =	shalt  }
0x67: {  	_ =	shalt  }
0x68: {  	_ =	shalt  }
0x69: {  	_ =	shalt  }
0x6a: {  	_ =	shalt  }
0x6b: {  	_ =	shalt  }
0x6c: {  	_ =	shalt  }
0x6d: {  	_ =	shalt  }
0x6e: {  	_ =	shalt  }
0x6f: {  	_ =	shalt  }
0x70: {  	_ =	shalt  }
0x71: {  	_ =	shalt  }
0x72: {  	_ =	shalt  }
0x73: {  	_ =	shalt  }
0x74: {  	_ =	shalt  }
0x75: {  	_ =	shalt  }
0x76: {  	_ =	shalt  }
0x77: {  	_ =	shalt  }
0x78: {  	_ =	shalt  }
0x79: {  	_ =	shalt  }
0x7a: {  	_ =	shalt  }
0x7b: {  	_ =	shalt  }
0x7c: {  	_ =	shalt  }
0x7d: {  	_ =	shalt  }
0x7e: {  	_ =	shalt  }
0x7f: {  	_ =	shalt  }
0x80: {  	_ =	shalt  }
0x81: {  	_ =	shalt  }
0x82: {  	_ =	shalt  }
0x83: {  	_ =	shalt  }
0x84: {  	_ =	shalt  }
0x85: {  	_ =	shalt  }
0x86: {  	_ =	shalt  }
0x87: {  	_ =	shalt  }
.Lfunc_end0:
.L_simem_size_0:
called_computation.3_lowered:
.L_overlay_start_0:
0x88: {  	s2 =	sld [smem:$0x3FD9]  }
0x89: {  	s3 =	sld [smem:$0x3FFE];
	_ =	sdelay $0x1  }
0x8a: {  	s1 =	srdreg.scid  }
0x8b: {  	s0 =	sand.u32 $0x1, s1  }
0x8c: {  	s16 =	sshll.u32 s0, $0xA;
	s2 =	sadd.s32 s3, s2  }
0x8d: {  	s2 =	sadd.s32 s2, s16  }
0x8e: {  	[smem:$0x3FBC] =	sst s2  }
0x8f: {  	_ = 	snop  }
0x90: {  	(tm) =	ssettm $0x1  }
0x91: {  	s17 =	sld [smem:$0x3FFB];
	_ =	sdelay $0x3  }
0x92: {  	_ =	strace s17  }
0x93: {  	s2 =	sld [smem:$0x3FFC];
	_ =	sdelay $0x3  }
0x94: {  	_ =	strace s2  }
0x95: {  	s2 =	sld [smem:$0x3FFD];
	_ =	sdelay $0x3  }
0x96: {  	_ =	strace s2  }
0x97: {  	_ =	strace $0x8FFFFFFF  }
0x98: {  	s18 =	sld [smem:$0x3FDB];
	_ =	sdelay $0x1  }
0x99: {  	s19 =	simm.s32 $_scs_section_size  }
0x9a: {  	s4 =	simm.s32 $_size__tile_overlayer_lowered;
	s5 =	simm.s32 $_tile_overlayer_lowered  }
0x9b: {  	s22 =	simm.s32 $0x1BFF;
	s21 =	sshll.u32 s5, $0x1;
	s2 =	sadd.s32 s19, s18  }
0x9c: {  	s6 =	simm.s32 $0x0;
	s20 =	sshll.u32 s4, $0x1;
	s4 =	sadd.s32 s21, s2  }
0x9d: {  	[timem:s6], [sflag:s22] =	dma.local [hbm:s4], s20  }
0x9e: {  	_ =	swait.ge [sflag:s22], s20  }
0x9f: {  	s3 =	ssub.s32 $0x0, s20;
	[sflag:s22] =	ssyncset.done $0x0  }
0xa0: {  	[sflag:s22] =	ssyncadd.s32 s3;
	_ =	sdelay $0x1  }
0xa1: {  	s23 =	simm.s32 $0x1B8B  }
0xa2: {  	_ =	swait.ge [sflag:s23], $0x1  }
0xa3: {  	[sflag:s23] =	ssyncset.done $0x0  }
0xa4: {  	s25 =	simm.s32 $0x1B8E;
	s24 =	sld [smem:$0x3FFE];
	[sflag:s23] =	ssyncadd.s32 $0xFFFFFFFF  }
0xa5: {  	s26 =	simm.s32 $execute0_lowered;
	[smem:$0x3FD2] =	sst s25  }
0xa6: {  	s4 =	sshll.u32 s26, $0x1;
	_ =	strace $0x8000004F;
	[dreg:$0x1] =	wrdreg $0xFFFFFFFF  }
0xa7: {  	s28 =	simm.s32 $_size_execute0_lowered;
	s2 =	sadd.s32 s2, s4;
	[dreg:$0x0] =	wrdreg $0x0  }
0xa8: {  	s4 =	sshll.u32 s28, $0x1;
	[dreg:$0x2] =	wrdreg s2  }
0xa9: {  	[dreg:$0x3] =	wrdreg s4  }
0xaa: {  	[dreg:$0x4] =	wrdreg $0xC0  }
0xab: {  	_ =	task [dreg:s6], $0x5FFFF  }
0xac: {  	[dreg:$0x1] =	wrdreg $0xFFFFFFFF  }
0xad: {  	[dreg:$0x0] =	wrdreg $0x60  }
0xae: {  	[dreg:$0x2] =	wrdreg s24  }
0xaf: {  	[dreg:$0x3] =	wrdreg $0x9  }
0xb0: {  	_ =	task.clear_ibuf [dreg:s6], $0x4FFFF;
	_ =	strace $0x9000004F  }
0xb1: {  	s29 =	simm.s32 $0x9;
	_ =	strace $0x80000051  }
0xb2: {  	_ =	swait.ge [sflag:s29], $0x1  }
0xb3: {  	[sflag:s29] =	ssyncadd.s32 $0xFFFFFFFF  }
0xb4: {  	_ =	strace $0x90000051  }
0xb5: {  	_ =	sfence  }
0xb6: {  	s30 =	sld [smem:$0x0];
	_ =	sdelay $0x2  }
0xb7: {  	s31 =	sshll.u32 s1, $0xD;
	s1 =	sshrl.u32 s1, $0x2  }
0xb8: {  	s3 =	sand.u32 $0x4000, s31;
	s1 =	sadd.s32 s1, s30  }
0xb9: {  	s0 =	sor.u32 s3, s0;
	s1 =	sshll.u32 s1, $0x11  }
0xba: {  	s0 =	sor.u32 s1, s0  }
0xbb: {  	s0 =	sadd.s32 $0x8F2B, s0  }
0xbc: {  	[sflag:s0] =	ssyncadd.remote.s32 $0x1  }
0xbd: {  	_ =	sfence.sel $0xFFFF  }
0xbe: {  	[dreg:$0x0] =	wrdreg $0xFFFFFFFF;
	(pc) =	sbr.abs _section_cstart, $3  }
0xbf: {  	[dreg:$0x1] =	wrdreg $0xFFFFFFFF  }
0xc0: {  	_ =	task.clear_ibuf [dreg:s6], $0x2FFFF;
	_ =	strace $0x9FFFFFFF  }
0xc1: {  	(tm) =	ssettm $0x7FFFFFFF  }
tec
execute0_lowered:
.L_overlay_start_1:
0x0: {  	(tag) =	ssettag $0x1  }
0x1: {  	s6 =	rddreg [dreg:$0x0]  }
0x2: {  	s0 =	rddreg [dreg:$0x1]  }
0x3: {  	s1 =	simm.s32 $0x0;
	s2 =	srdreg.scid;
	s11 =	simm.s32 $0x80  }
0x4: {  	s12 =	simm.s32 $0x1480;
	s13 =	simm.s32 $0x1;
	s14 =	simm.s32 $0x2880  }
0x5: {  	s15 =	simm.s32 $0x0;
	[smem:$0x7FF] =	sst s1;
	s3 =	sadd.s32 $0x1A6200, s6  }
0x6: {  	s7 =	sand.u32 $0x1, s2;
	s4 =	sadd.s32 $0x2567800, s6;
	s2 =	stileid.u32  }
0x7: {  	s5 =	sadd.s32 $0xC9400, s6;
	s6 =	sadd.s32 $0x269800, s6;
	s8 =	ssub.s32 $0x2, s7  }
0x8: {  	_ =	strace $0x80000050;
	s10 =	sshll.u32 s2, $0x1;
	s9 =	sshrl.u32 s8, $0x1  }
0x9: {  	s7 =	sor.u32 s7, s10;
	s10 =	simm.s32 $0x28;
	s8 =	ssub.s32 s8, s9  }
0xa: {  	s7 =	smul.u32 $0x271, s7;
	s9 =	simm.s32 $0x2;
	s8 =	smax.u32 s8, $0x1  }
.LBB2_1:
0xb: {  	s16 =	simm.s32 $0x0  }
.LBB2_2:
0xc: {  	s17 =	sadd.s32 s7, s16  }
0xd: {  	s18 =	smul.u32 $0x5, s17;
	_ =	sdelay $0x1  }
0xe: {  	s19 =	simm.s32 $0x0;
	s18 =	sadd.s32 s5, s18  }
0xf: {  	[tilespmem:s19], [sflag:$0x2] =	stream.linear.gather [hbm4b:s18+s19], $0x28, $0x38;
	[tilespmem:$0x3C80] =	vst v63  }
0x10: {  	_ =	swait.ge [sflag:s9], $0x28  }
0x11: {  	[sflag:s9] =	ssyncset.done $0x0  }
0x12: {  	s17 =	smul.u32 $0x280, s17;
	[sflag:s9] =	ssyncadd.s32 $0xFFFFFFD8  }
0x13: {  	[tilespmem:s11], [sflag:$0x1] =	stream.indirect.gather [hbm4b:s3+s10], $0x80, s19, s10, $0xb8;
	[tilespmem:$0x3C80] =	vst v63  }
0x14: {  	s31 =	sadd.s32 s4, s17  }
0x15: {  	[tilespmem:s12], [sflag:$0x2] =	stream.linear.gather [hbm4b:s31+s19], $0x1400, $0x38;
	[tilespmem:$0x3C80] =	vst v63  }
0x16: {  	_ =	swait.ge [sflag:s9], $0x1400  }
0x17: {  	[sflag:s9] =	ssyncset.done $0x0  }
0x18: {  	[sflag:s9] =	ssyncadd.s32 $0xFFFFEC00  }
0x19: {  	_ =	swait.ge [sflag:s13], $0x1400  }
0x1a: {  	[sflag:s13] =	ssyncset.done $0x0  }
0x1b: {  	s18 =	simm.s32 $0x0;
	[sflag:s13] =	ssyncadd.s32 $0xFFFFEC00  }
0x1c: {  	v2 =	vld [tilespmem:s18+$0xB0]  }
0x1d: {  	v4 =	vld [tilespmem:s18+$0x14B0]  }
0x1e: {  	v5 =	vld [tilespmem:s18+$0x80]  }
0x1f: {  	v6 =	vld [tilespmem:s18+$0x1480]  }
0x20: {  	v1 =	vld [tilespmem:s18+$0x90]  }
0x21: {  	v3 =	vld [tilespmem:s18+$0x1490]  }
0x22: {  	v0 =	vld [tilespmem:s18+$0xA0];
	v7 =	vmul.f32 v4, v2  }
0x23: {  	s19 =	simm.s32 $0x80;
	v4 =	vld [tilespmem:s18+$0x14A0]  }
0x24: {  	s20 =	simm.s32 $0x400;
	v2 =	vld [tilespmem:s19+$0xB0];
	v5 =	vmul.f32 v6, v5;
	[tilespmem:s18+$0x28B0] =	vst v7  }
.LBB2_3:
0x25: {  	p0 =	sne.s32 s20, $0x4E00;
	v6 =	vld [tilespmem:s19+$0x14B0]  }
0x26: {  	v7 =	vld [tilespmem:s19+$0x80];
	[tilespmem:s18+$0x2880] =	vst v5;
	v3 =	vmul.f32 v3, v1  }
0x27: {  	v5 =	vld [tilespmem:s19+$0x1480]  }
.Ltmp0:
0x28: {  	v1 =	vld [tilespmem:s19+$0x90];
	[tilespmem:s18+$0x2890] =	vst v3;
	v4 =	vmul.f32 v4, v0;
	(pc) =	sbr.rel @p0 .LBB2_3-.Ltmp0, $4  }
0x29: {  	v3 =	vld [tilespmem:s19+$0x1490]  }
0x2a: {  	v0 =	vld [tilespmem:s19+$0xA0];
	v6 =	vmul.f32 v6, v2;
	[tilespmem:s18+$0x28A0] =	vst v4;
	s18 =	smov.u32 s19  }
0x2b: {  	s19 =	sshra.s32 s20, $0x2;
	v4 =	vld [tilespmem:s18+$0x14A0]  }
0x2c: {  	s20 =	sadd.s32 $0x200, s20;
	v2 =	vld [tilespmem:s19+$0xB0];
	v5 =	vmul.f32 v5, v7;
	[tilespmem:s18+$0x28B0] =	vst v6  }
0x2d: {  	v6 =	vld [tilespmem:s19+$0x14B0]  }
0x2e: {  	v7 =	vld [tilespmem:s19+$0x80];
	[tilespmem:s18+$0x2880] =	vst v5;
	v1 =	vmul.f32 v3, v1  }
0x2f: {  	v62 =	vld [tilespmem:s19+$0x1480]  }
0x30: {  	v5 =	vld [tilespmem:s19+$0x90];
	[tilespmem:s18+$0x2890] =	vst v1;
	v0 =	vmul.f32 v4, v0  }
0x31: {  	v1 =	vld [tilespmem:s19+$0x1490]  }
0x32: {  	v63 =	vld [tilespmem:s19+$0xA0];
	[tilespmem:s18+$0x28A0] =	vst v0  }
0x33: {  	v0 =	vld [tilespmem:s19+$0x14A0];
	_ =	sdelay $0x1  }
0x34: {  	v2 =	vmul.f32 v6, v2  }
0x35: {  	v3 =	vmul.f32 v62, v7  }
0x36: {  	[tilespmem:s19+$0x28B0] =	vst v2;
	v1 =	vmul.f32 v1, v5  }
0x37: {  	s16 =	sadd.s32 $0x1, s16;
	[tilespmem:s19+$0x2880] =	vst v3;
	v0 =	vmul.f32 v0, v63  }
0x38: {  	p0 =	sne.s32 s16, $0x271;
	[tilespmem:s19+$0x2890] =	vst v1  }
.Ltmp1:
0x39: {  	s17 =	sadd.s32 s6, s17;
	[tilespmem:s19+$0x28A0] =	vst v0;
	(pc) =	sbr.rel @p0 .LBB2_2-.Ltmp1, $4  }
0x3a: {  	[hbm4b:s17+s1] =	stream.linear.scatter [tilespmem:s14], [sflag:$0x2], $0x1400, $0x38;
	[tilespmem:$0x3C80] =	vst v63  }
0x3b: {  	_ =	swait.ge [sflag:s9], $0x1400  }
0x3c: {  	[sflag:s9] =	ssyncset.done $0x0  }
0x3d: {  	[sflag:s9] =	ssyncadd.s32 $0xFFFFEC00  }
0x3e: {  	s15 =	sadd.s32 $0x1, s15  }
0x3f: {  	p0 =	sne.s32 s15, s8  }
.Ltmp2:
0x40: {  	_ = 	snop;
	(pc) =	sbr.rel @p0 .LBB2_1-.Ltmp2, $1  }
0x41: {  	_ =	sdelay $0x3  }
0x42: {  	_ =	sfence.sel $0x180000  }
0x43: {  	[bflag:$0x0] =	sbarrier.arrive $0xFFFF  }
0x44: {  	p0 =	sne.s32 s2, $0x0;
	_ =	strace $0x90000050  }
0x45: {  	s0 =	sadd.s32 @!p0 $0x100000, s0;
	[bflag:$0x2] =	sbarrier.arrive $0xFFFF  }
0x46: {  	[sflag:s0] =	ssyncadd.tile.s32 @!p0 $0x1;
	_ =	shalt  }
.Lfunc_end2:
_tile_overlayer_lowered:
.L_overlay_start_2:
0x47: {  	(tag) =	ssettag $0x2  }
0x48: {  	s0 =	rddreg [dreg:$0x0];
	s2 =	stileid.u32  }
0x49: {  	s1 =	rddreg [dreg:$0x1];
	p0 =	sne.s32 s2, $0x0  }
0x4a: {  	s3 =	rddreg [dreg:$0x2];
	[bflag:$0x3] =	sbarrier.arrive $0xFFFF;
	s2 =	simm.s32 @!p0 $0x1C02  }
0x4b: {  	[timem:s3], [sflag:s2] =	dma.local @!p0 [hbm:s0], s1  }
0x4c: {  	s0 =	simm.s32 @!p0 $0x2  }
0x4d: {  	_ =	swait.ge @!p0 [sflag:s0], s1  }
0x4e: {  	s1 =	ssub.s32 @!p0 $0x0, s1;
	[sflag:s0] =	ssyncset.done @!p0 $0x0  }
0x4f: {  	[sflag:s0] =	ssyncadd.s32 @!p0 s1  }
0x50: {  	[bflag:$0x3] =	sbarrier.arrive $0xFFFF  }
0x51: {  	_ =	shalt  }

</sc_bundles>
